<compile_context>
chip_gen: v7x
topology: tpu7x:2x2x1
jax: 0.10.2.dev20260603
libtpu: 0.0.44.dev20260713+nightly
codegen_flags: <defaults>
</compile_context>

<pallas_src>
import functools

import jax
import jax.numpy as jnp
from jax import lax
from jax.experimental import pallas as pl
from jax.experimental.pallas import tpu as pltpu
from jax.experimental.pallas import tpu_sc as plsc

BATCH = 4096
FEAT = 128
NCLS_PAD = 100352
ROW_TILE = 2048
CHUNK = 128


def _make_sc_gather_counts():
    info = plsc.get_sparse_core_info()
    nc, ns = info.num_cores, info.num_subcores
    nw = nc * ns
    b_per_w = BATCH // nw
    n_chunks = BATCH // CHUNK
    assert b_per_w == CHUNK
    mesh = plsc.VectorSubcoreMesh(core_axis_name="c", subcore_axis_name="s")

    @functools.partial(
        pl.kernel,
        mesh=mesh,
        out_type=(
            jax.ShapeDtypeStruct((BATCH, FEAT), jnp.float32),
            jax.ShapeDtypeStruct((2, BATCH), jnp.float32),
        ),
        scratch_types=[
            pltpu.VMEM((CHUNK,), jnp.int32),
            pltpu.VMEM((CHUNK, FEAT), jnp.float32),
            pltpu.VMEM((n_chunks // 2, CHUNK), jnp.int32),
            pltpu.VMEM((CHUNK,), jnp.int32),
            pltpu.VMEM((CHUNK,), jnp.int32),
            pltpu.VMEM((CHUNK,), jnp.int32),
            pltpu.VMEM((CHUNK,), jnp.int32),
            pltpu.VMEM((CHUNK,), jnp.int32),
            pltpu.VMEM((CHUNK,), jnp.int32),
            pltpu.VMEM((2, CHUNK), jnp.float32),
            pltpu.VMEM_SHARED((NCLS_PAD,), jnp.int32),
            pltpu.SemaphoreType.DMA,
            pltpu.SemaphoreType.DMA,
        ],
    )
    def gather_counts(centers_hbm, labels2d_hbm, bc_hbm, cnt_hbm,
                      idx_v, rows_v, lab2d, ones_v, cidx_a, cidx_b,
                      pre_a, pre_b, post_v, cnt_v, table, sem, sem2):
        cid = lax.axis_index("c")
        sid = lax.axis_index("s")
        wid = sid * nc + cid
        pltpu.sync_copy(labels2d_hbm.at[wid], idx_v)
        gat = pltpu.async_copy(centers_hbm.at[idx_v], rows_v, sem)

        pltpu.sync_copy(labels2d_hbm.at[2 * sid], cidx_a)
        pltpu.sync_copy(labels2d_hbm.at[2 * sid + 1], cidx_b)
        pltpu.async_copy(table.at[cidx_a], pre_a, sem2).wait()
        pltpu.async_copy(table.at[cidx_b], pre_b, sem2).wait()
        plsc.subcore_barrier()
        @pl.when(sid == 0)
        def _():
            pltpu.sync_copy(
                labels2d_hbm.at[pl.ds(cid * (n_chunks // 2), n_chunks // 2)],
                lab2d)
            for i in range(CHUNK // 16):
                ones_v[pl.ds(i * 16, 16)] = jnp.ones((16,), jnp.int32)
            for j in range(n_chunks // 2):
                pltpu.sync_copy(ones_v, table.at[lab2d.at[j]], add=True)
        plsc.subcore_barrier()
        pltpu.async_copy(table.at[cidx_a], post_v, sem2).wait()
        for i in range(CHUNK // 16):
            sl = pl.ds(i * 16, 16)
            cnt_v[0, sl] = (post_v[sl] - pre_a[sl]).astype(jnp.float32)
        pltpu.async_copy(table.at[cidx_b], post_v, sem2).wait()
        for i in range(CHUNK // 16):
            sl = pl.ds(i * 16, 16)
            cnt_v[1, sl] = (post_v[sl] - pre_b[sl]).astype(jnp.float32)
        pltpu.sync_copy(cnt_v.at[0], cnt_hbm.at[cid, pl.ds(2 * sid * CHUNK, CHUNK)])
        pltpu.sync_copy(cnt_v.at[1], cnt_hbm.at[cid, pl.ds((2 * sid + 1) * CHUNK, CHUNK)])

        gat.wait()
        pltpu.sync_copy(rows_v, bc_hbm.at[pl.ds(wid * CHUNK, CHUNK)])

    return gather_counts


_sc_gather_counts = _make_sc_gather_counts()


def _loss_body(x_ref, bc_ref, c_ref, vec_ref, out_ref):
    i = pl.program_id(0)
    x = x_ref[...]
    bc = bc_ref[...]
    x16 = x.astype(jnp.bfloat16)
    bc16 = bc.astype(jnp.bfloat16)
    s = lax.dot_general(
        x16, bc16, (((1,), (1,)), ((), ())),
        preferred_element_type=jnp.float32,
    )
    r = jnp.maximum(s, 0.0)
    rowsum = jnp.sum(r * r, axis=0, keepdims=True)
    bcrow = bc_ref[pl.ds(i * ROW_TILE, ROW_TILE), :]
    p = x * bcrow
    ones = jnp.ones((FEAT, FEAT), jnp.float32)
    q2d = lax.dot_general(
        p, ones, (((1,), (0,)), ((), ())),
        preferred_element_type=jnp.float32,
    )
    c = c_ref[0, :] + c_ref[1, :]
    corr = c[:, None] * (1.0 - 2.0 * jnp.maximum(q2d, 0.0))
    csum = jnp.sum(corr, axis=0, keepdims=True)

    @pl.when(i == 0)
    def _():
        vec_ref[...] = jnp.zeros_like(vec_ref)
        out_ref[0, 0] = 0.0

    vec_ref[...] += rowsum
    out_ref[0, 0] += jnp.sum(csum) * (1.0 / FEAT)

    @pl.when(i == pl.num_programs(0) - 1)
    def _():
        out_ref[0, 0] += jnp.sum(vec_ref[...])


def _fused_loss(x, bc, counts2d):
    grid = (BATCH // ROW_TILE,)
    return pl.pallas_call(
        _loss_body,
        grid=grid,
        in_specs=[
            pl.BlockSpec((ROW_TILE, FEAT), lambda i: (i, 0)),
            pl.BlockSpec((BATCH, FEAT), lambda i: (0, 0)),
            pl.BlockSpec((2, ROW_TILE), lambda i: (0, i)),
        ],
        out_specs=[
            pl.BlockSpec((1, BATCH), lambda i: (0, 0)),
            pl.BlockSpec((1, 1), lambda i: (0, 0), memory_space=pltpu.SMEM),
        ],
        out_shape=[
            jax.ShapeDtypeStruct((1, BATCH), jnp.float32),
            jax.ShapeDtypeStruct((1, 1), jnp.float32),
        ],
    )(x, bc, counts2d)


@jax.jit
def kernel(x, labels, centers):
    labels2d = labels.reshape(BATCH // CHUNK, CHUNK)
    batch_centers, counts = _sc_gather_counts(centers, labels2d)
    _, out = _fused_loss(x, batch_centers, counts)
    return out[0, 0]

# --- scband reference (transcript-rebuilt; emitter-appended) ---
"""Pipeline reference for scband-stochastic-cosine-similarity-loss-47321949667848 (READ-ONLY COPY).

The authoritative reference and input builder live on the scoring server;
editing this copy changes nothing except your own understanding.
"""

import jax, jax.numpy as jnp
import numpy as np

NUM_CLASSES = 100000
FEAT_DIM = 128
BATCH = 4096


def setup_inputs(seed: int = 0) -> dict:
    key = jax.random.key(seed)
    k1, k2, k3 = jax.random.split(key, 3)
    x = jax.random.normal(k1, (BATCH, FEAT_DIM), dtype=jnp.float32)
    labels = jax.random.randint(k2, (BATCH,), 0, NUM_CLASSES, dtype=jnp.int32)
    centers = jax.random.normal(k3, (NUM_CLASSES, FEAT_DIM), dtype=jnp.float32)
    centers = centers / jnp.maximum(jnp.linalg.norm(centers, axis=1, keepdims=True), 1e-12)
    return {"x": x, "labels": labels, "centers": centers}


def reference(x, labels, centers):
    # gather per-sample class centers (SparseCore gather)
    batch_centers = jnp.take(centers, labels, axis=0)
    # target similarity: 1 where labels match, else 0
    label_mat = jnp.broadcast_to(labels.reshape(1, -1), (labels.shape[0], labels.shape[0]))
    target_similarities = (label_mat == label_mat.T).astype(jnp.float32)
    # cosine-style similarity with relu clamp
    similarity = jax.nn.relu(jnp.einsum('pd,td->pt', x, batch_centers))
    diff = similarity - target_similarities
    return jnp.sum(diff ** 2)

if __name__ == "__main__":
    import jax
    _d = setup_inputs()
    print(jax.jit(kernel)(*tuple(_d.values())))

</pallas_src>

<mosaic_0001>
#map = affine_map<(d0, d1) -> (0, 0)>
module attributes {stable_mosaic.version = 14 : i64} {
  func.func @gather_counts(%arg0: i32, %arg1: i32, %arg2: memref<100000x128xf32, #tpu.memory_space<hbm>>, %arg3: memref<32x128xi32, #tpu.memory_space<hbm>>, %arg4: memref<4096x128xf32, #tpu.memory_space<hbm>>, %arg5: memref<2x4096xf32, #tpu.memory_space<hbm>>, %arg6: memref<128xi32, #tpu.memory_space<vmem>>, %arg7: memref<128x128xf32, #tpu.memory_space<vmem>>, %arg8: memref<16x128xi32, #tpu.memory_space<vmem>>, %arg9: memref<128xi32, #tpu.memory_space<vmem>>, %arg10: memref<128xi32, #tpu.memory_space<vmem>>, %arg11: memref<128xi32, #tpu.memory_space<vmem>>, %arg12: memref<128xi32, #tpu.memory_space<vmem>>, %arg13: memref<128xi32, #tpu.memory_space<vmem>>, %arg14: memref<128xi32, #tpu.memory_space<vmem>>, %arg15: memref<2x128xf32, #tpu.memory_space<vmem>>, %arg16: memref<100352xi32, #tpu.memory_space<vmem_shared>>, %arg17: memref<!tpu.dma_semaphore, #tpu.memory_space<semaphore_mem>>, %arg18: memref<!tpu.dma_semaphore, #tpu.memory_space<semaphore_mem>>) attributes {dimension_semantics = [#tpu.dimension_semantics<core_parallel>, #tpu.dimension_semantics<subcore_parallel>], iteration_bounds = array<i64: 2, 16>, scalar_prefetch = 0 : i64, scratch_operands = 13 : i64, tpu.core_type = #tpu.core_type<sc_vector_subcore>, window_params = [{transform_indices = #map}, {transform_indices = #map}, {transform_indices = #map}, {transform_indices = #map}]} {
    %mul3A = arith.constant 2 : i32
    %mul3A_0 = arith.muli %arg1, %mul3A : i32
    %add3A = arith.addi %mul3A_0, %arg0 : i32
    "tpu.region"() ({
      %run_scoped3A_264 = tpu.sem_alloc : memref<!tpu.dma_semaphore, #tpu.memory_space<semaphore_mem>>
      %dma_start3A_265 = arith.constant 0 : i32
      %dma_start3A_266 = tpu.memref_slice %arg3[%add3A, %dma_start3A_265] : memref<32x128xi32, #tpu.memory_space<hbm>> -> memref<1x128xi32, #tpu.memory_space<hbm>>
      %dma_start3A_267 = tpu.memref_squeeze %dma_start3A_266 : memref<1x128xi32, #tpu.memory_space<hbm>> -> memref<128xi32, #tpu.memory_space<hbm>>
      %dma_start3A_268 = arith.constant 0 : i32
      %dma_start3A_269 = tpu.memref_slice %arg3[%add3A, %dma_start3A_268] : memref<32x128xi32, #tpu.memory_space<hbm>> -> memref<1x128xi32, #tpu.memory_space<hbm>>
      %dma_start3A_270 = tpu.memref_squeeze %dma_start3A_269 : memref<1x128xi32, #tpu.memory_space<hbm>> -> memref<128xi32, #tpu.memory_space<hbm>>
      tpu.enqueue_dma source(%dma_start3A_270 : memref<128xi32, #tpu.memory_space<hbm>>) target(%arg6 : memref<128xi32, #tpu.memory_space<vmem>>) target_semaphore(%run_scoped3A_264 : memref<!tpu.dma_semaphore, #tpu.memory_space<semaphore_mem>>)
      %dma_wait3A_271 = arith.constant 0 : i32
      %dma_wait3A_272 = tpu.memref_slice %arg3[%add3A, %dma_wait3A_271] : memref<32x128xi32, #tpu.memory_space<hbm>> -> memref<1x128xi32, #tpu.memory_space<hbm>>
      %dma_wait3A_273 = tpu.memref_squeeze %dma_wait3A_272 : memref<1x128xi32, #tpu.memory_space<hbm>> -> memref<128xi32, #tpu.memory_space<hbm>>
      %dma_wait3A_274 = arith.constant 0 : i32
      %dma_wait3A_275 = tpu.memref_slice %arg3[%add3A, %dma_wait3A_274] : memref<32x128xi32, #tpu.memory_space<hbm>> -> memref<1x128xi32, #tpu.memory_space<hbm>>
      %dma_wait3A_276 = tpu.memref_squeeze %dma_wait3A_275 : memref<1x128xi32, #tpu.memory_space<hbm>> -> memref<128xi32, #tpu.memory_space<hbm>>
      tpu.wait_dma2 semaphore(%run_scoped3A_264 : memref<!tpu.dma_semaphore, #tpu.memory_space<semaphore_mem>>) src(%dma_wait3A_276 : memref<128xi32, #tpu.memory_space<hbm>>) dst(%arg6 : memref<128xi32, #tpu.memory_space<vmem>>)
      tpu.yield
    }) : () -> ()
    %dma_start3A = arith.constant 0 : i32
    %dma_start3A_1 = arith.constant 0 : i32
    %dma_start3A_2 = tpu.memref_slice %arg2[%dma_start3A, %dma_start3A_1] : memref<100000x128xf32, #tpu.memory_space<hbm>> -> memref<100000x128xf32, #tpu.memory_space<hbm>>
    tpu.enqueue_indirect_dma source(%dma_start3A_2 : memref<100000x128xf32, #tpu.memory_space<hbm>>) target(%arg7 : memref<128x128xf32, #tpu.memory_space<vmem>>) offsets(%arg6 : memref<128xi32, #tpu.memory_space<vmem>>) semaphore(%arg17 : memref<!tpu.dma_semaphore, #tpu.memory_space<semaphore_mem>>)
    %mul3A_3 = arith.constant 2 : i32
    %mul3A_4 = arith.muli %mul3A_3, %arg1 : i32
    "tpu.region"() ({
      %run_scoped3A_264 = tpu.sem_alloc : memref<!tpu.dma_semaphore, #tpu.memory_space<semaphore_mem>>
      %dma_start3A_265 = arith.constant 0 : i32
      %dma_start3A_266 = tpu.memref_slice %arg3[%mul3A_4, %dma_start3A_265] : memref<32x128xi32, #tpu.memory_space<hbm>> -> memref<1x128xi32, #tpu.memory_space<hbm>>
      %dma_start3A_267 = tpu.memref_squeeze %dma_start3A_266 : memref<1x128xi32, #tpu.memory_space<hbm>> -> memref<128xi32, #tpu.memory_space<hbm>>
      %dma_start3A_268 = arith.constant 0 : i32
      %dma_start3A_269 = tpu.memref_slice %arg3[%mul3A_4, %dma_start3A_268] : memref<32x128xi32, #tpu.memory_space<hbm>> -> memref<1x128xi32, #tpu.memory_space<hbm>>
      %dma_start3A_270 = tpu.memref_squeeze %dma_start3A_269 : memref<1x128xi32, #tpu.memory_space<hbm>> -> memref<128xi32, #tpu.memory_space<hbm>>
      tpu.enqueue_dma source(%dma_start3A_270 : memref<128xi32, #tpu.memory_space<hbm>>) target(%arg10 : memref<128xi32, #tpu.memory_space<vmem>>) target_semaphore(%run_scoped3A_264 : memref<!tpu.dma_semaphore, #tpu.memory_space<semaphore_mem>>)
      %dma_wait3A_271 = arith.constant 0 : i32
      %dma_wait3A_272 = tpu.memref_slice %arg3[%mul3A_4, %dma_wait3A_271] : memref<32x128xi32, #tpu.memory_space<hbm>> -> memref<1x128xi32, #tpu.memory_space<hbm>>
      %dma_wait3A_273 = tpu.memref_squeeze %dma_wait3A_272 : memref<1x128xi32, #tpu.memory_space<hbm>> -> memref<128xi32, #tpu.memory_space<hbm>>
      %dma_wait3A_274 = arith.constant 0 : i32
      %dma_wait3A_275 = tpu.memref_slice %arg3[%mul3A_4, %dma_wait3A_274] : memref<32x128xi32, #tpu.memory_space<hbm>> -> memref<1x128xi32, #tpu.memory_space<hbm>>
      %dma_wait3A_276 = tpu.memref_squeeze %dma_wait3A_275 : memref<1x128xi32, #tpu.memory_space<hbm>> -> memref<128xi32, #tpu.memory_space<hbm>>
      tpu.wait_dma2 semaphore(%run_scoped3A_264 : memref<!tpu.dma_semaphore, #tpu.memory_space<semaphore_mem>>) src(%dma_wait3A_276 : memref<128xi32, #tpu.memory_space<hbm>>) dst(%arg10 : memref<128xi32, #tpu.memory_space<vmem>>)
      tpu.yield
    }) : () -> ()
    %mul3A_5 = arith.constant 2 : i32
    %mul3A_6 = arith.muli %mul3A_5, %arg1 : i32
    %add3A_7 = arith.constant 1 : i32
    %add3A_8 = arith.addi %mul3A_6, %add3A_7 : i32
    "tpu.region"() ({
      %run_scoped3A_264 = tpu.sem_alloc : memref<!tpu.dma_semaphore, #tpu.memory_space<semaphore_mem>>
      %dma_start3A_265 = arith.constant 0 : i32
      %dma_start3A_266 = tpu.memref_slice %arg3[%add3A_8, %dma_start3A_265] : memref<32x128xi32, #tpu.memory_space<hbm>> -> memref<1x128xi32, #tpu.memory_space<hbm>>
      %dma_start3A_267 = tpu.memref_squeeze %dma_start3A_266 : memref<1x128xi32, #tpu.memory_space<hbm>> -> memref<128xi32, #tpu.memory_space<hbm>>
      %dma_start3A_268 = arith.constant 0 : i32
      %dma_start3A_269 = tpu.memref_slice %arg3[%add3A_8, %dma_start3A_268] : memref<32x128xi32, #tpu.memory_space<hbm>> -> memref<1x128xi32, #tpu.memory_space<hbm>>
      %dma_start3A_270 = tpu.memref_squeeze %dma_start3A_269 : memref<1x128xi32, #tpu.memory_space<hbm>> -> memref<128xi32, #tpu.memory_space<hbm>>
      tpu.enqueue_dma source(%dma_start3A_270 : memref<128xi32, #tpu.memory_space<hbm>>) target(%arg11 : memref<128xi32, #tpu.memory_space<vmem>>) target_semaphore(%run_scoped3A_264 : memref<!tpu.dma_semaphore, #tpu.memory_space<semaphore_mem>>)
      %dma_wait3A_271 = arith.constant 0 : i32
      %dma_wait3A_272 = tpu.memref_slice %arg3[%add3A_8, %dma_wait3A_271] : memref<32x128xi32, #tpu.memory_space<hbm>> -> memref<1x128xi32, #tpu.memory_space<hbm>>
      %dma_wait3A_273 = tpu.memref_squeeze %dma_wait3A_272 : memref<1x128xi32, #tpu.memory_space<hbm>> -> memref<128xi32, #tpu.memory_space<hbm>>
      %dma_wait3A_274 = arith.constant 0 : i32
      %dma_wait3A_275 = tpu.memref_slice %arg3[%add3A_8, %dma_wait3A_274] : memref<32x128xi32, #tpu.memory_space<hbm>> -> memref<1x128xi32, #tpu.memory_space<hbm>>
      %dma_wait3A_276 = tpu.memref_squeeze %dma_wait3A_275 : memref<1x128xi32, #tpu.memory_space<hbm>> -> memref<128xi32, #tpu.memory_space<hbm>>
      tpu.wait_dma2 semaphore(%run_scoped3A_264 : memref<!tpu.dma_semaphore, #tpu.memory_space<semaphore_mem>>) src(%dma_wait3A_276 : memref<128xi32, #tpu.memory_space<hbm>>) dst(%arg11 : memref<128xi32, #tpu.memory_space<vmem>>)
      tpu.yield
    }) : () -> ()
    %dma_start3A_9 = arith.constant 0 : i32
    %dma_start3A_10 = tpu.memref_slice %arg16[%dma_start3A_9] : memref<100352xi32, #tpu.memory_space<vmem_shared>> -> memref<100352xi32, #tpu.memory_space<vmem_shared>>
    tpu.enqueue_indirect_dma source(%dma_start3A_10 : memref<100352xi32, #tpu.memory_space<vmem_shared>>) target(%arg12 : memref<128xi32, #tpu.memory_space<vmem>>) offsets(%arg10 : memref<128xi32, #tpu.memory_space<vmem>>) semaphore(%arg18 : memref<!tpu.dma_semaphore, #tpu.memory_space<semaphore_mem>>)
    %dma_wait3A = arith.constant 0 : i32
    %dma_wait3A_11 = tpu.memref_slice %arg16[%dma_wait3A] : memref<100352xi32, #tpu.memory_space<vmem_shared>> -> memref<100352xi32, #tpu.memory_space<vmem_shared>>
    tpu.wait_indirect_dma semaphore(%arg18 : memref<!tpu.dma_semaphore, #tpu.memory_space<semaphore_mem>>) src(%dma_wait3A_11 : memref<100352xi32, #tpu.memory_space<vmem_shared>>) dst(%arg12 : memref<128xi32, #tpu.memory_space<vmem>>)
    %dma_start3A_12 = arith.constant 0 : i32
    %dma_start3A_13 = tpu.memref_slice %arg16[%dma_start3A_12] : memref<100352xi32, #tpu.memory_space<vmem_shared>> -> memref<100352xi32, #tpu.memory_space<vmem_shared>>
    tpu.enqueue_indirect_dma source(%dma_start3A_13 : memref<100352xi32, #tpu.memory_space<vmem_shared>>) target(%arg13 : memref<128xi32, #tpu.memory_space<vmem>>) offsets(%arg11 : memref<128xi32, #tpu.memory_space<vmem>>) semaphore(%arg18 : memref<!tpu.dma_semaphore, #tpu.memory_space<semaphore_mem>>)
    %dma_wait3A_14 = arith.constant 0 : i32
    %dma_wait3A_15 = tpu.memref_slice %arg16[%dma_wait3A_14] : memref<100352xi32, #tpu.memory_space<vmem_shared>> -> memref<100352xi32, #tpu.memory_space<vmem_shared>>
    tpu.wait_indirect_dma semaphore(%arg18 : memref<!tpu.dma_semaphore, #tpu.memory_space<semaphore_mem>>) src(%dma_wait3A_15 : memref<100352xi32, #tpu.memory_space<vmem_shared>>) dst(%arg13 : memref<128xi32, #tpu.memory_space<vmem>>)
    %barrier3A = arith.constant 0 : index
    tpu.barrier barrier_id(%barrier3A)
    %eq3A = arith.constant 0 : i32
    %eq3A_16 = arith.cmpi eq, %arg1, %eq3A : i32
    %convert_element_type3A = arith.extui %eq3A_16 : i1 to i32
    %cond3A = arith.constant 0 : i32
    %cond3A_17 = arith.cmpi ne, %convert_element_type3A, %cond3A : i32
    scf.if %cond3A_17 {
      %mul3A_264 = arith.constant 16 : i32
      %mul3A_265 = arith.muli %arg0, %mul3A_264 : i32
      "tpu.region"() ({
        %run_scoped3A_329 = tpu.sem_alloc : memref<!tpu.dma_semaphore, #tpu.memory_space<semaphore_mem>>
        %dma_start3A_330 = arith.constant 0 : i32
        %dma_start3A_331 = tpu.memref_slice %arg3[%mul3A_265, %dma_start3A_330] : memref<32x128xi32, #tpu.memory_space<hbm>> -> memref<16x128xi32, #tpu.memory_space<hbm>>
        %dma_start3A_332 = arith.constant 0 : i32
        %dma_start3A_333 = tpu.memref_slice %arg3[%mul3A_265, %dma_start3A_332] : memref<32x128xi32, #tpu.memory_space<hbm>> -> memref<16x128xi32, #tpu.memory_space<hbm>>
        tpu.enqueue_dma source(%dma_start3A_333 : memref<16x128xi32, #tpu.memory_space<hbm>>) target(%arg8 : memref<16x128xi32, #tpu.memory_space<vmem>>) target_semaphore(%run_scoped3A_329 : memref<!tpu.dma_semaphore, #tpu.memory_space<semaphore_mem>>)
        %dma_wait3A_334 = arith.constant 0 : i32
        %dma_wait3A_335 = tpu.memref_slice %arg3[%mul3A_265, %dma_wait3A_334] : memref<32x128xi32, #tpu.memory_space<hbm>> -> memref<16x128xi32, #tpu.memory_space<hbm>>
        %dma_wait3A_336 = arith.constant 0 : i32
        %dma_wait3A_337 = tpu.memref_slice %arg3[%mul3A_265, %dma_wait3A_336] : memref<32x128xi32, #tpu.memory_space<hbm>> -> memref<16x128xi32, #tpu.memory_space<hbm>>
        tpu.wait_dma2 semaphore(%run_scoped3A_329 : memref<!tpu.dma_semaphore, #tpu.memory_space<semaphore_mem>>) src(%dma_wait3A_337 : memref<16x128xi32, #tpu.memory_space<hbm>>) dst(%arg8 : memref<16x128xi32, #tpu.memory_space<vmem>>)
        tpu.yield
      }) : () -> ()
      %broadcast_in_dim3A = arith.constant 1 : i32
      %broadcast_in_dim3A_266 = vector.broadcast %broadcast_in_dim3A : i32 to vector<16xi32>
      %swap3A_267 = arith.constant 0 : index
      %swap3A_268 = tpu.vector_load %arg9[%swap3A_267] {strides = array<i32>} : memref<128xi32, #tpu.memory_space<vmem>>, vector<16xi32>,
      %swap3A_269 = vector.shape_cast %swap3A_268 : vector<16xi32> to vector<16xi32>
      %swap3A_270 = vector.shape_cast %broadcast_in_dim3A_266 : vector<16xi32> to vector<16xi32>
      tpu.vector_store %arg9[%swap3A_267], %swap3A_270 {strides = array<i32>} : memref<128xi32, #tpu.memory_space<vmem>>, vector<16xi32>,
      %broadcast_in_dim3A_271 = arith.constant 1 : i32
      %broadcast_in_dim3A_272 = vector.broadcast %broadcast_in_dim3A_271 : i32 to vector<16xi32>
      %swap3A_273 = arith.constant 16 : index
      %swap3A_274 = tpu.vector_load %arg9[%swap3A_273] {strides = array<i32>} : memref<128xi32, #tpu.memory_space<vmem>>, vector<16xi32>,
      %swap3A_275 = vector.shape_cast %swap3A_274 : vector<16xi32> to vector<16xi32>
      %swap3A_276 = vector.shape_cast %broadcast_in_dim3A_272 : vector<16xi32> to vector<16xi32>
      tpu.vector_store %arg9[%swap3A_273], %swap3A_276 {strides = array<i32>} : memref<128xi32, #tpu.memory_space<vmem>>, vector<16xi32>,
      %broadcast_in_dim3A_277 = arith.constant 1 : i32
      %broadcast_in_dim3A_278 = vector.broadcast %broadcast_in_dim3A_277 : i32 to vector<16xi32>
      %swap3A_279 = arith.constant 32 : index
      %swap3A_280 = tpu.vector_load %arg9[%swap3A_279] {strides = array<i32>} : memref<128xi32, #tpu.memory_space<vmem>>, vector<16xi32>,
      %swap3A_281 = vector.shape_cast %swap3A_280 : vector<16xi32> to vector<16xi32>
      %swap3A_282 = vector.shape_cast %broadcast_in_dim3A_278 : vector<16xi32> to vector<16xi32>
      tpu.vector_store %arg9[%swap3A_279], %swap3A_282 {strides = array<i32>} : memref<128xi32, #tpu.memory_space<vmem>>, vector<16xi32>,
      %broadcast_in_dim3A_283 = arith.constant 1 : i32
      %broadcast_in_dim3A_284 = vector.broadcast %broadcast_in_dim3A_283 : i32 to vector<16xi32>
      %swap3A_285 = arith.constant 48 : index
      %swap3A_286 = tpu.vector_load %arg9[%swap3A_285] {strides = array<i32>} : memref<128xi32, #tpu.memory_space<vmem>>, vector<16xi32>,
      %swap3A_287 = vector.shape_cast %swap3A_286 : vector<16xi32> to vector<16xi32>
      %swap3A_288 = vector.shape_cast %broadcast_in_dim3A_284 : vector<16xi32> to vector<16xi32>
      tpu.vector_store %arg9[%swap3A_285], %swap3A_288 {strides = array<i32>} : memref<128xi32, #tpu.memory_space<vmem>>, vector<16xi32>,
      %broadcast_in_dim3A_289 = arith.constant 1 : i32
      %broadcast_in_dim3A_290 = vector.broadcast %broadcast_in_dim3A_289 : i32 to vector<16xi32>
      %swap3A_291 = arith.constant 64 : index
      %swap3A_292 = tpu.vector_load %arg9[%swap3A_291] {strides = array<i32>} : memref<128xi32, #tpu.memory_space<vmem>>, vector<16xi32>,
      %swap3A_293 = vector.shape_cast %swap3A_292 : vector<16xi32> to vector<16xi32>
      %swap3A_294 = vector.shape_cast %broadcast_in_dim3A_290 : vector<16xi32> to vector<16xi32>
      tpu.vector_store %arg9[%swap3A_291], %swap3A_294 {strides = array<i32>} : memref<128xi32, #tpu.memory_space<vmem>>, vector<16xi32>,
      %broadcast_in_dim3A_295 = arith.constant 1 : i32
      %broadcast_in_dim3A_296 = vector.broadcast %broadcast_in_dim3A_295 : i32 to vector<16xi32>
      %swap3A_297 = arith.constant 80 : index
      %swap3A_298 = tpu.vector_load %arg9[%swap3A_297] {strides = array<i32>} : memref<128xi32, #tpu.memory_space<vmem>>, vector<16xi32>,
      %swap3A_299 = vector.shape_cast %swap3A_298 : vector<16xi32> to vector<16xi32>
      %swap3A_300 = vector.shape_cast %broadcast_in_dim3A_296 : vector<16xi32> to vector<16xi32>
      tpu.vector_store %arg9[%swap3A_297], %swap3A_300 {strides = array<i32>} : memref<128xi32, #tpu.memory_space<vmem>>, vector<16xi32>,
      %broadcast_in_dim3A_301 = arith.constant 1 : i32
      %broadcast_in_dim3A_302 = vector.broadcast %broadcast_in_dim3A_301 : i32 to vector<16xi32>
      %swap3A_303 = arith.constant 96 : index
      %swap3A_304 = tpu.vector_load %arg9[%swap3A_303] {strides = array<i32>} : memref<128xi32, #tpu.memory_space<vmem>>, vector<16xi32>,
      %swap3A_305 = vector.shape_cast %swap3A_304 : vector<16xi32> to vector<16xi32>
      %swap3A_306 = vector.shape_cast %broadcast_in_dim3A_302 : vector<16xi32> to vector<16xi32>
      tpu.vector_store %arg9[%swap3A_303], %swap3A_306 {strides = array<i32>} : memref<128xi32, #tpu.memory_space<vmem>>, vector<16xi32>,
      %broadcast_in_dim3A_307 = arith.constant 1 : i32
      %broadcast_in_dim3A_308 = vector.broadcast %broadcast_in_dim3A_307 : i32 to vector<16xi32>
      %swap3A_309 = arith.constant 112 : index
      %swap3A_310 = tpu.vector_load %arg9[%swap3A_309] {strides = array<i32>} : memref<128xi32, #tpu.memory_space<vmem>>, vector<16xi32>,
      %swap3A_311 = vector.shape_cast %swap3A_310 : vector<16xi32> to vector<16xi32>
      %swap3A_312 = vector.shape_cast %broadcast_in_dim3A_308 : vector<16xi32> to vector<16xi32>
      tpu.vector_store %arg9[%swap3A_309], %swap3A_312 {strides = array<i32>} : memref<128xi32, #tpu.memory_space<vmem>>, vector<16xi32>,
      %run_scoped3A_313 = arith.constant 0 : i32
      "tpu.region"() ({
        %run_scoped3A_329 = tpu.sem_alloc : memref<!tpu.dma_semaphore, #tpu.memory_space<semaphore_mem>>
        %dma_start3A_330 = arith.constant 0 : i32
        %dma_start3A_331 = tpu.memref_slice %arg8[%run_scoped3A_313, %dma_start3A_330] : memref<16x128xi32, #tpu.memory_space<vmem>> -> memref<1x128xi32, #tpu.memory_space<vmem>>
        %dma_start3A_332 = tpu.memref_squeeze %dma_start3A_331 : memref<1x128xi32, #tpu.memory_space<vmem>> -> memref<128xi32, #tpu.memory_space<vmem>>
        %dma_start3A_333 = arith.constant 0 : i32
        %dma_start3A_334 = tpu.memref_slice %arg16[%dma_start3A_333] : memref<100352xi32, #tpu.memory_space<vmem_shared>> -> memref<100352xi32, #tpu.memory_space<vmem_shared>>
        tpu.enqueue_indirect_dma source(%arg9 : memref<128xi32, #tpu.memory_space<vmem>>) target(%dma_start3A_334 : memref<100352xi32, #tpu.memory_space<vmem_shared>>) offsets(%dma_start3A_332 : memref<128xi32, #tpu.memory_space<vmem>>) semaphore(%run_scoped3A_329 : memref<!tpu.dma_semaphore, #tpu.memory_space<semaphore_mem>>) {add = true}
        %dma_wait3A_335 = arith.constant 0 : i32
        %dma_wait3A_336 = tpu.memref_slice %arg8[%run_scoped3A_313, %dma_wait3A_335] : memref<16x128xi32, #tpu.memory_space<vmem>> -> memref<1x128xi32, #tpu.memory_space<vmem>>
        %dma_wait3A_337 = tpu.memref_squeeze %dma_wait3A_336 : memref<1x128xi32, #tpu.memory_space<vmem>> -> memref<128xi32, #tpu.memory_space<vmem>>
        %dma_wait3A_338 = arith.constant 0 : i32
        %dma_wait3A_339 = tpu.memref_slice %arg16[%dma_wait3A_338] : memref<100352xi32, #tpu.memory_space<vmem_shared>> -> memref<100352xi32, #tpu.memory_space<vmem_shared>>
        tpu.wait_indirect_dma semaphore(%run_scoped3A_329 : memref<!tpu.dma_semaphore, #tpu.memory_space<semaphore_mem>>) src(%arg9 : memref<128xi32, #tpu.memory_space<vmem>>) dst(%dma_wait3A_339 : memref<100352xi32, #tpu.memory_space<vmem_shared>>)
        tpu.yield
      }) : () -> ()
      %run_scoped3A_314 = arith.constant 1 : i32
      "tpu.region"() ({
        %run_scoped3A_329 = tpu.sem_alloc : memref<!tpu.dma_semaphore, #tpu.memory_space<semaphore_mem>>
        %dma_start3A_330 = arith.constant 0 : i32
        %dma_start3A_331 = tpu.memref_slice %arg8[%run_scoped3A_314, %dma_start3A_330] : memref<16x128xi32, #tpu.memory_space<vmem>> -> memref<1x128xi32, #tpu.memory_space<vmem>>
        %dma_start3A_332 = tpu.memref_squeeze %dma_start3A_331 : memref<1x128xi32, #tpu.memory_space<vmem>> -> memref<128xi32, #tpu.memory_space<vmem>>
        %dma_start3A_333 = arith.constant 0 : i32
        %dma_start3A_334 = tpu.memref_slice %arg16[%dma_start3A_333] : memref<100352xi32, #tpu.memory_space<vmem_shared>> -> memref<100352xi32, #tpu.memory_space<vmem_shared>>
        tpu.enqueue_indirect_dma source(%arg9 : memref<128xi32, #tpu.memory_space<vmem>>) target(%dma_start3A_334 : memref<100352xi32, #tpu.memory_space<vmem_shared>>) offsets(%dma_start3A_332 : memref<128xi32, #tpu.memory_space<vmem>>) semaphore(%run_scoped3A_329 : memref<!tpu.dma_semaphore, #tpu.memory_space<semaphore_mem>>) {add = true}
        %dma_wait3A_335 = arith.constant 0 : i32
        %dma_wait3A_336 = tpu.memref_slice %arg8[%run_scoped3A_314, %dma_wait3A_335] : memref<16x128xi32, #tpu.memory_space<vmem>> -> memref<1x128xi32, #tpu.memory_space<vmem>>
        %dma_wait3A_337 = tpu.memref_squeeze %dma_wait3A_336 : memref<1x128xi32, #tpu.memory_space<vmem>> -> memref<128xi32, #tpu.memory_space<vmem>>
        %dma_wait3A_338 = arith.constant 0 : i32
        %dma_wait3A_339 = tpu.memref_slice %arg16[%dma_wait3A_338] : memref<100352xi32, #tpu.memory_space<vmem_shared>> -> memref<100352xi32, #tpu.memory_space<vmem_shared>>
        tpu.wait_indirect_dma semaphore(%run_scoped3A_329 : memref<!tpu.dma_semaphore, #tpu.memory_space<semaphore_mem>>) src(%arg9 : memref<128xi32, #tpu.memory_space<vmem>>) dst(%dma_wait3A_339 : memref<100352xi32, #tpu.memory_space<vmem_shared>>)
        tpu.yield
      }) : () -> ()
      %run_scoped3A_315 = arith.constant 2 : i32
      "tpu.region"() ({
        %run_scoped3A_329 = tpu.sem_alloc : memref<!tpu.dma_semaphore, #tpu.memory_space<semaphore_mem>>
        %dma_start3A_330 = arith.constant 0 : i32
        %dma_start3A_331 = tpu.memref_slice %arg8[%run_scoped3A_315, %dma_start3A_330] : memref<16x128xi32, #tpu.memory_space<vmem>> -> memref<1x128xi32, #tpu.memory_space<vmem>>
        %dma_start3A_332 = tpu.memref_squeeze %dma_start3A_331 : memref<1x128xi32, #tpu.memory_space<vmem>> -> memref<128xi32, #tpu.memory_space<vmem>>
        %dma_start3A_333 = arith.constant 0 : i32
        %dma_start3A_334 = tpu.memref_slice %arg16[%dma_start3A_333] : memref<100352xi32, #tpu.memory_space<vmem_shared>> -> memref<100352xi32, #tpu.memory_space<vmem_shared>>
        tpu.enqueue_indirect_dma source(%arg9 : memref<128xi32, #tpu.memory_space<vmem>>) target(%dma_start3A_334 : memref<100352xi32, #tpu.memory_space<vmem_shared>>) offsets(%dma_start3A_332 : memref<128xi32, #tpu.memory_space<vmem>>) semaphore(%run_scoped3A_329 : memref<!tpu.dma_semaphore, #tpu.memory_space<semaphore_mem>>) {add = true}
        %dma_wait3A_335 = arith.constant 0 : i32
        %dma_wait3A_336 = tpu.memref_slice %arg8[%run_scoped3A_315, %dma_wait3A_335] : memref<16x128xi32, #tpu.memory_space<vmem>> -> memref<1x128xi32, #tpu.memory_space<vmem>>
        %dma_wait3A_337 = tpu.memref_squeeze %dma_wait3A_336 : memref<1x128xi32, #tpu.memory_space<vmem>> -> memref<128xi32, #tpu.memory_space<vmem>>
        %dma_wait3A_338 = arith.constant 0 : i32
        %dma_wait3A_339 = tpu.memref_slice %arg16[%dma_wait3A_338] : memref<100352xi32, #tpu.memory_space<vmem_shared>> -> memref<100352xi32, #tpu.memory_space<vmem_shared>>
        tpu.wait_indirect_dma semaphore(%run_scoped3A_329 : memref<!tpu.dma_semaphore, #tpu.memory_space<semaphore_mem>>) src(%arg9 : memref<128xi32, #tpu.memory_space<vmem>>) dst(%dma_wait3A_339 : memref<100352xi32, #tpu.memory_space<vmem_shared>>)
        tpu.yield
      }) : () -> ()
      %run_scoped3A_316 = arith.constant 3 : i32
      "tpu.region"() ({
        %run_scoped3A_329 = tpu.sem_alloc : memref<!tpu.dma_semaphore, #tpu.memory_space<semaphore_mem>>
        %dma_start3A_330 = arith.constant 0 : i32
        %dma_start3A_331 = tpu.memref_slice %arg8[%run_scoped3A_316, %dma_start3A_330] : memref<16x128xi32, #tpu.memory_space<vmem>> -> memref<1x128xi32, #tpu.memory_space<vmem>>
        %dma_start3A_332 = tpu.memref_squeeze %dma_start3A_331 : memref<1x128xi32, #tpu.memory_space<vmem>> -> memref<128xi32, #tpu.memory_space<vmem>>
        %dma_start3A_333 = arith.constant 0 : i32
        %dma_start3A_334 = tpu.memref_slice %arg16[%dma_start3A_333] : memref<100352xi32, #tpu.memory_space<vmem_shared>> -> memref<100352xi32, #tpu.memory_space<vmem_shared>>
        tpu.enqueue_indirect_dma source(%arg9 : memref<128xi32, #tpu.memory_space<vmem>>) target(%dma_start3A_334 : memref<100352xi32, #tpu.memory_space<vmem_shared>>) offsets(%dma_start3A_332 : memref<128xi32, #tpu.memory_space<vmem>>) semaphore(%run_scoped3A_329 : memref<!tpu.dma_semaphore, #tpu.memory_space<semaphore_mem>>) {add = true}
        %dma_wait3A_335 = arith.constant 0 : i32
        %dma_wait3A_336 = tpu.memref_slice %arg8[%run_scoped3A_316, %dma_wait3A_335] : memref<16x128xi32, #tpu.memory_space<vmem>> -> memref<1x128xi32, #tpu.memory_space<vmem>>
        %dma_wait3A_337 = tpu.memref_squeeze %dma_wait3A_336 : memref<1x128xi32, #tpu.memory_space<vmem>> -> memref<128xi32, #tpu.memory_space<vmem>>
        %dma_wait3A_338 = arith.constant 0 : i32
        %dma_wait3A_339 = tpu.memref_slice %arg16[%dma_wait3A_338] : memref<100352xi32, #tpu.memory_space<vmem_shared>> -> memref<100352xi32, #tpu.memory_space<vmem_shared>>
        tpu.wait_indirect_dma semaphore(%run_scoped3A_329 : memref<!tpu.dma_semaphore, #tpu.memory_space<semaphore_mem>>) src(%arg9 : memref<128xi32, #tpu.memory_space<vmem>>) dst(%dma_wait3A_339 : memref<100352xi32, #tpu.memory_space<vmem_shared>>)
        tpu.yield
      }) : () -> ()
      %run_scoped3A_317 = arith.constant 4 : i32
      "tpu.region"() ({
        %run_scoped3A_329 = tpu.sem_alloc : memref<!tpu.dma_semaphore, #tpu.memory_space<semaphore_mem>>
        %dma_start3A_330 = arith.constant 0 : i32
        %dma_start3A_331 = tpu.memref_slice %arg8[%run_scoped3A_317, %dma_start3A_330] : memref<16x128xi32, #tpu.memory_space<vmem>> -> memref<1x128xi32, #tpu.memory_space<vmem>>
        %dma_start3A_332 = tpu.memref_squeeze %dma_start3A_331 : memref<1x128xi32, #tpu.memory_space<vmem>> -> memref<128xi32, #tpu.memory_space<vmem>>
        %dma_start3A_333 = arith.constant 0 : i32
        %dma_start3A_334 = tpu.memref_slice %arg16[%dma_start3A_333] : memref<100352xi32, #tpu.memory_space<vmem_shared>> -> memref<100352xi32, #tpu.memory_space<vmem_shared>>
        tpu.enqueue_indirect_dma source(%arg9 : memref<128xi32, #tpu.memory_space<vmem>>) target(%dma_start3A_334 : memref<100352xi32, #tpu.memory_space<vmem_shared>>) offsets(%dma_start3A_332 : memref<128xi32, #tpu.memory_space<vmem>>) semaphore(%run_scoped3A_329 : memref<!tpu.dma_semaphore, #tpu.memory_space<semaphore_mem>>) {add = true}
        %dma_wait3A_335 = arith.constant 0 : i32
        %dma_wait3A_336 = tpu.memref_slice %arg8[%run_scoped3A_317, %dma_wait3A_335] : memref<16x128xi32, #tpu.memory_space<vmem>> -> memref<1x128xi32, #tpu.memory_space<vmem>>
        %dma_wait3A_337 = tpu.memref_squeeze %dma_wait3A_336 : memref<1x128xi32, #tpu.memory_space<vmem>> -> memref<128xi32, #tpu.memory_space<vmem>>
        %dma_wait3A_338 = arith.constant 0 : i32
        %dma_wait3A_339 = tpu.memref_slice %arg16[%dma_wait3A_338] : memref<100352xi32, #tpu.memory_space<vmem_shared>> -> memref<100352xi32, #tpu.memory_space<vmem_shared>>
        tpu.wait_indirect_dma semaphore(%run_scoped3A_329 : memref<!tpu.dma_semaphore, #tpu.memory_space<semaphore_mem>>) src(%arg9 : memref<128xi32, #tpu.memory_space<vmem>>) dst(%dma_wait3A_339 : memref<100352xi32, #tpu.memory_space<vmem_shared>>)
        tpu.yield
      }) : () -> ()
      %run_scoped3A_318 = arith.constant 5 : i32
      "tpu.region"() ({
        %run_scoped3A_329 = tpu.sem_alloc : memref<!tpu.dma_semaphore, #tpu.memory_space<semaphore_mem>>
        %dma_start3A_330 = arith.constant 0 : i32
        %dma_start3A_331 = tpu.memref_slice %arg8[%run_scoped3A_318, %dma_start3A_330] : memref<16x128xi32, #tpu.memory_space<vmem>> -> memref<1x128xi32, #tpu.memory_space<vmem>>
        %dma_start3A_332 = tpu.memref_squeeze %dma_start3A_331 : memref<1x128xi32, #tpu.memory_space<vmem>> -> memref<128xi32, #tpu.memory_space<vmem>>
        %dma_start3A_333 = arith.constant 0 : i32
        %dma_start3A_334 = tpu.memref_slice %arg16[%dma_start3A_333] : memref<100352xi32, #tpu.memory_space<vmem_shared>> -> memref<100352xi32, #tpu.memory_space<vmem_shared>>
        tpu.enqueue_indirect_dma source(%arg9 : memref<128xi32, #tpu.memory_space<vmem>>) target(%dma_start3A_334 : memref<100352xi32, #tpu.memory_space<vmem_shared>>) offsets(%dma_start3A_332 : memref<128xi32, #tpu.memory_space<vmem>>) semaphore(%run_scoped3A_329 : memref<!tpu.dma_semaphore, #tpu.memory_space<semaphore_mem>>) {add = true}
        %dma_wait3A_335 = arith.constant 0 : i32
        %dma_wait3A_336 = tpu.memref_slice %arg8[%run_scoped3A_318, %dma_wait3A_335] : memref<16x128xi32, #tpu.memory_space<vmem>> -> memref<1x128xi32, #tpu.memory_space<vmem>>
        %dma_wait3A_337 = tpu.memref_squeeze %dma_wait3A_336 : memref<1x128xi32, #tpu.memory_space<vmem>> -> memref<128xi32, #tpu.memory_space<vmem>>
        %dma_wait3A_338 = arith.constant 0 : i32
        %dma_wait3A_339 = tpu.memref_slice %arg16[%dma_wait3A_338] : memref<100352xi32, #tpu.memory_space<vmem_shared>> -> memref<100352xi32, #tpu.memory_space<vmem_shared>>
        tpu.wait_indirect_dma semaphore(%run_scoped3A_329 : memref<!tpu.dma_semaphore, #tpu.memory_space<semaphore_mem>>) src(%arg9 : memref<128xi32, #tpu.memory_space<vmem>>) dst(%dma_wait3A_339 : memref<100352xi32, #tpu.memory_space<vmem_shared>>)
        tpu.yield
      }) : () -> ()
      %run_scoped3A_319 = arith.constant 6 : i32
      "tpu.region"() ({
        %run_scoped3A_329 = tpu.sem_alloc : memref<!tpu.dma_semaphore, #tpu.memory_space<semaphore_mem>>
        %dma_start3A_330 = arith.constant 0 : i32
        %dma_start3A_331 = tpu.memref_slice %arg8[%run_scoped3A_319, %dma_start3A_330] : memref<16x128xi32, #tpu.memory_space<vmem>> -> memref<1x128xi32, #tpu.memory_space<vmem>>
        %dma_start3A_332 = tpu.memref_squeeze %dma_start3A_331 : memref<1x128xi32, #tpu.memory_space<vmem>> -> memref<128xi32, #tpu.memory_space<vmem>>
        %dma_start3A_333 = arith.constant 0 : i32
        %dma_start3A_334 = tpu.memref_slice %arg16[%dma_start3A_333] : memref<100352xi32, #tpu.memory_space<vmem_shared>> -> memref<100352xi32, #tpu.memory_space<vmem_shared>>
        tpu.enqueue_indirect_dma source(%arg9 : memref<128xi32, #tpu.memory_space<vmem>>) target(%dma_start3A_334 : memref<100352xi32, #tpu.memory_space<vmem_shared>>) offsets(%dma_start3A_332 : memref<128xi32, #tpu.memory_space<vmem>>) semaphore(%run_scoped3A_329 : memref<!tpu.dma_semaphore, #tpu.memory_space<semaphore_mem>>) {add = true}
        %dma_wait3A_335 = arith.constant 0 : i32
        %dma_wait3A_336 = tpu.memref_slice %arg8[%run_scoped3A_319, %dma_wait3A_335] : memref<16x128xi32, #tpu.memory_space<vmem>> -> memref<1x128xi32, #tpu.memory_space<vmem>>
        %dma_wait3A_337 = tpu.memref_squeeze %dma_wait3A_336 : memref<1x128xi32, #tpu.memory_space<vmem>> -> memref<128xi32, #tpu.memory_space<vmem>>
        %dma_wait3A_338 = arith.constant 0 : i32
        %dma_wait3A_339 = tpu.memref_slice %arg16[%dma_wait3A_338] : memref<100352xi32, #tpu.memory_space<vmem_shared>> -> memref<100352xi32, #tpu.memory_space<vmem_shared>>
        tpu.wait_indirect_dma semaphore(%run_scoped3A_329 : memref<!tpu.dma_semaphore, #tpu.memory_space<semaphore_mem>>) src(%arg9 : memref<128xi32, #tpu.memory_space<vmem>>) dst(%dma_wait3A_339 : memref<100352xi32, #tpu.memory_space<vmem_shared>>)
        tpu.yield
      }) : () -> ()
      %run_scoped3A_320 = arith.constant 7 : i32
      "tpu.region"() ({
        %run_scoped3A_329 = tpu.sem_alloc : memref<!tpu.dma_semaphore, #tpu.memory_space<semaphore_mem>>
        %dma_start3A_330 = arith.constant 0 : i32
        %dma_start3A_331 = tpu.memref_slice %arg8[%run_scoped3A_320, %dma_start3A_330] : memref<16x128xi32, #tpu.memory_space<vmem>> -> memref<1x128xi32, #tpu.memory_space<vmem>>
        %dma_start3A_332 = tpu.memref_squeeze %dma_start3A_331 : memref<1x128xi32, #tpu.memory_space<vmem>> -> memref<128xi32, #tpu.memory_space<vmem>>
        %dma_start3A_333 = arith.constant 0 : i32
        %dma_start3A_334 = tpu.memref_slice %arg16[%dma_start3A_333] : memref<100352xi32, #tpu.memory_space<vmem_shared>> -> memref<100352xi32, #tpu.memory_space<vmem_shared>>
        tpu.enqueue_indirect_dma source(%arg9 : memref<128xi32, #tpu.memory_space<vmem>>) target(%dma_start3A_334 : memref<100352xi32, #tpu.memory_space<vmem_shared>>) offsets(%dma_start3A_332 : memref<128xi32, #tpu.memory_space<vmem>>) semaphore(%run_scoped3A_329 : memref<!tpu.dma_semaphore, #tpu.memory_space<semaphore_mem>>) {add = true}
        %dma_wait3A_335 = arith.constant 0 : i32
        %dma_wait3A_336 = tpu.memref_slice %arg8[%run_scoped3A_320, %dma_wait3A_335] : memref<16x128xi32, #tpu.memory_space<vmem>> -> memref<1x128xi32, #tpu.memory_space<vmem>>
        %dma_wait3A_337 = tpu.memref_squeeze %dma_wait3A_336 : memref<1x128xi32, #tpu.memory_space<vmem>> -> memref<128xi32, #tpu.memory_space<vmem>>
        %dma_wait3A_338 = arith.constant 0 : i32
        %dma_wait3A_339 = tpu.memref_slice %arg16[%dma_wait3A_338] : memref<100352xi32, #tpu.memory_space<vmem_shared>> -> memref<100352xi32, #tpu.memory_space<vmem_shared>>
        tpu.wait_indirect_dma semaphore(%run_scoped3A_329 : memref<!tpu.dma_semaphore, #tpu.memory_space<semaphore_mem>>) src(%arg9 : memref<128xi32, #tpu.memory_space<vmem>>) dst(%dma_wait3A_339 : memref<100352xi32, #tpu.memory_space<vmem_shared>>)
        tpu.yield
      }) : () -> ()
      %run_scoped3A_321 = arith.constant 8 : i32
      "tpu.region"() ({
        %run_scoped3A_329 = tpu.sem_alloc : memref<!tpu.dma_semaphore, #tpu.memory_space<semaphore_mem>>
        %dma_start3A_330 = arith.constant 0 : i32
        %dma_start3A_331 = tpu.memref_slice %arg8[%run_scoped3A_321, %dma_start3A_330] : memref<16x128xi32, #tpu.memory_space<vmem>> -> memref<1x128xi32, #tpu.memory_space<vmem>>
        %dma_start3A_332 = tpu.memref_squeeze %dma_start3A_331 : memref<1x128xi32, #tpu.memory_space<vmem>> -> memref<128xi32, #tpu.memory_space<vmem>>
        %dma_start3A_333 = arith.constant 0 : i32
        %dma_start3A_334 = tpu.memref_slice %arg16[%dma_start3A_333] : memref<100352xi32, #tpu.memory_space<vmem_shared>> -> memref<100352xi32, #tpu.memory_space<vmem_shared>>
        tpu.enqueue_indirect_dma source(%arg9 : memref<128xi32, #tpu.memory_space<vmem>>) target(%dma_start3A_334 : memref<100352xi32, #tpu.memory_space<vmem_shared>>) offsets(%dma_start3A_332 : memref<128xi32, #tpu.memory_space<vmem>>) semaphore(%run_scoped3A_329 : memref<!tpu.dma_semaphore, #tpu.memory_space<semaphore_mem>>) {add = true}
        %dma_wait3A_335 = arith.constant 0 : i32
        %dma_wait3A_336 = tpu.memref_slice %arg8[%run_scoped3A_321, %dma_wait3A_335] : memref<16x128xi32, #tpu.memory_space<vmem>> -> memref<1x128xi32, #tpu.memory_space<vmem>>
        %dma_wait3A_337 = tpu.memref_squeeze %dma_wait3A_336 : memref<1x128xi32, #tpu.memory_space<vmem>> -> memref<128xi32, #tpu.memory_space<vmem>>
        %dma_wait3A_338 = arith.constant 0 : i32
        %dma_wait3A_339 = tpu.memref_slice %arg16[%dma_wait3A_338] : memref<100352xi32, #tpu.memory_space<vmem_shared>> -> memref<100352xi32, #tpu.memory_space<vmem_shared>>
        tpu.wait_indirect_dma semaphore(%run_scoped3A_329 : memref<!tpu.dma_semaphore, #tpu.memory_space<semaphore_mem>>) src(%arg9 : memref<128xi32, #tpu.memory_space<vmem>>) dst(%dma_wait3A_339 : memref<100352xi32, #tpu.memory_space<vmem_shared>>)
        tpu.yield
      }) : () -> ()
      %run_scoped3A_322 = arith.constant 9 : i32
      "tpu.region"() ({
        %run_scoped3A_329 = tpu.sem_alloc : memref<!tpu.dma_semaphore, #tpu.memory_space<semaphore_mem>>
        %dma_start3A_330 = arith.constant 0 : i32
        %dma_start3A_331 = tpu.memref_slice %arg8[%run_scoped3A_322, %dma_start3A_330] : memref<16x128xi32, #tpu.memory_space<vmem>> -> memref<1x128xi32, #tpu.memory_space<vmem>>
        %dma_start3A_332 = tpu.memref_squeeze %dma_start3A_331 : memref<1x128xi32, #tpu.memory_space<vmem>> -> memref<128xi32, #tpu.memory_space<vmem>>
        %dma_start3A_333 = arith.constant 0 : i32
        %dma_start3A_334 = tpu.memref_slice %arg16[%dma_start3A_333] : memref<100352xi32, #tpu.memory_space<vmem_shared>> -> memref<100352xi32, #tpu.memory_space<vmem_shared>>
        tpu.enqueue_indirect_dma source(%arg9 : memref<128xi32, #tpu.memory_space<vmem>>) target(%dma_start3A_334 : memref<100352xi32, #tpu.memory_space<vmem_shared>>) offsets(%dma_start3A_332 : memref<128xi32, #tpu.memory_space<vmem>>) semaphore(%run_scoped3A_329 : memref<!tpu.dma_semaphore, #tpu.memory_space<semaphore_mem>>) {add = true}
        %dma_wait3A_335 = arith.constant 0 : i32
        %dma_wait3A_336 = tpu.memref_slice %arg8[%run_scoped3A_322, %dma_wait3A_335] : memref<16x128xi32, #tpu.memory_space<vmem>> -> memref<1x128xi32, #tpu.memory_space<vmem>>
        %dma_wait3A_337 = tpu.memref_squeeze %dma_wait3A_336 : memref<1x128xi32, #tpu.memory_space<vmem>> -> memref<128xi32, #tpu.memory_space<vmem>>
        %dma_wait3A_338 = arith.constant 0 : i32
        %dma_wait3A_339 = tpu.memref_slice %arg16[%dma_wait3A_338] : memref<100352xi32, #tpu.memory_space<vmem_shared>> -> memref<100352xi32, #tpu.memory_space<vmem_shared>>
        tpu.wait_indirect_dma semaphore(%run_scoped3A_329 : memref<!tpu.dma_semaphore, #tpu.memory_space<semaphore_mem>>) src(%arg9 : memref<128xi32, #tpu.memory_space<vmem>>) dst(%dma_wait3A_339 : memref<100352xi32, #tpu.memory_space<vmem_shared>>)
        tpu.yield
      }) : () -> ()
      %run_scoped3A_323 = arith.constant 10 : i32
      "tpu.region"() ({
        %run_scoped3A_329 = tpu.sem_alloc : memref<!tpu.dma_semaphore, #tpu.memory_space<semaphore_mem>>
        %dma_start3A_330 = arith.constant 0 : i32
        %dma_start3A_331 = tpu.memref_slice %arg8[%run_scoped3A_323, %dma_start3A_330] : memref<16x128xi32, #tpu.memory_space<vmem>> -> memref<1x128xi32, #tpu.memory_space<vmem>>
        %dma_start3A_332 = tpu.memref_squeeze %dma_start3A_331 : memref<1x128xi32, #tpu.memory_space<vmem>> -> memref<128xi32, #tpu.memory_space<vmem>>
        %dma_start3A_333 = arith.constant 0 : i32
        %dma_start3A_334 = tpu.memref_slice %arg16[%dma_start3A_333] : memref<100352xi32, #tpu.memory_space<vmem_shared>> -> memref<100352xi32, #tpu.memory_space<vmem_shared>>
        tpu.enqueue_indirect_dma source(%arg9 : memref<128xi32, #tpu.memory_space<vmem>>) target(%dma_start3A_334 : memref<100352xi32, #tpu.memory_space<vmem_shared>>) offsets(%dma_start3A_332 : memref<128xi32, #tpu.memory_space<vmem>>) semaphore(%run_scoped3A_329 : memref<!tpu.dma_semaphore, #tpu.memory_space<semaphore_mem>>) {add = true}
        %dma_wait3A_335 = arith.constant 0 : i32
        %dma_wait3A_336 = tpu.memref_slice %arg8[%run_scoped3A_323, %dma_wait3A_335] : memref<16x128xi32, #tpu.memory_space<vmem>> -> memref<1x128xi32, #tpu.memory_space<vmem>>
        %dma_wait3A_337 = tpu.memref_squeeze %dma_wait3A_336 : memref<1x128xi32, #tpu.memory_space<vmem>> -> memref<128xi32, #tpu.memory_space<vmem>>
        %dma_wait3A_338 = arith.constant 0 : i32
        %dma_wait3A_339 = tpu.memref_slice %arg16[%dma_wait3A_338] : memref<100352xi32, #tpu.memory_space<vmem_shared>> -> memref<100352xi32, #tpu.memory_space<vmem_shared>>
        tpu.wait_indirect_dma semaphore(%run_scoped3A_329 : memref<!tpu.dma_semaphore, #tpu.memory_space<semaphore_mem>>) src(%arg9 : memref<128xi32, #tpu.memory_space<vmem>>) dst(%dma_wait3A_339 : memref<100352xi32, #tpu.memory_space<vmem_shared>>)
        tpu.yield
      }) : () -> ()
      %run_scoped3A_324 = arith.constant 11 : i32
      "tpu.region"() ({
        %run_scoped3A_329 = tpu.sem_alloc : memref<!tpu.dma_semaphore, #tpu.memory_space<semaphore_mem>>
        %dma_start3A_330 = arith.constant 0 : i32
        %dma_start3A_331 = tpu.memref_slice %arg8[%run_scoped3A_324, %dma_start3A_330] : memref<16x128xi32, #tpu.memory_space<vmem>> -> memref<1x128xi32, #tpu.memory_space<vmem>>
        %dma_start3A_332 = tpu.memref_squeeze %dma_start3A_331 : memref<1x128xi32, #tpu.memory_space<vmem>> -> memref<128xi32, #tpu.memory_space<vmem>>
        %dma_start3A_333 = arith.constant 0 : i32
        %dma_start3A_334 = tpu.memref_slice %arg16[%dma_start3A_333] : memref<100352xi32, #tpu.memory_space<vmem_shared>> -> memref<100352xi32, #tpu.memory_space<vmem_shared>>
        tpu.enqueue_indirect_dma source(%arg9 : memref<128xi32, #tpu.memory_space<vmem>>) target(%dma_start3A_334 : memref<100352xi32, #tpu.memory_space<vmem_shared>>) offsets(%dma_start3A_332 : memref<128xi32, #tpu.memory_space<vmem>>) semaphore(%run_scoped3A_329 : memref<!tpu.dma_semaphore, #tpu.memory_space<semaphore_mem>>) {add = true}
        %dma_wait3A_335 = arith.constant 0 : i32
        %dma_wait3A_336 = tpu.memref_slice %arg8[%run_scoped3A_324, %dma_wait3A_335] : memref<16x128xi32, #tpu.memory_space<vmem>> -> memref<1x128xi32, #tpu.memory_space<vmem>>
        %dma_wait3A_337 = tpu.memref_squeeze %dma_wait3A_336 : memref<1x128xi32, #tpu.memory_space<vmem>> -> memref<128xi32, #tpu.memory_space<vmem>>
        %dma_wait3A_338 = arith.constant 0 : i32
        %dma_wait3A_339 = tpu.memref_slice %arg16[%dma_wait3A_338] : memref<100352xi32, #tpu.memory_space<vmem_shared>> -> memref<100352xi32, #tpu.memory_space<vmem_shared>>
        tpu.wait_indirect_dma semaphore(%run_scoped3A_329 : memref<!tpu.dma_semaphore, #tpu.memory_space<semaphore_mem>>) src(%arg9 : memref<128xi32, #tpu.memory_space<vmem>>) dst(%dma_wait3A_339 : memref<100352xi32, #tpu.memory_space<vmem_shared>>)
        tpu.yield
      }) : () -> ()
      %run_scoped3A_325 = arith.constant 12 : i32
      "tpu.region"() ({
        %run_scoped3A_329 = tpu.sem_alloc : memref<!tpu.dma_semaphore, #tpu.memory_space<semaphore_mem>>
        %dma_start3A_330 = arith.constant 0 : i32
        %dma_start3A_331 = tpu.memref_slice %arg8[%run_scoped3A_325, %dma_start3A_330] : memref<16x128xi32, #tpu.memory_space<vmem>> -> memref<1x128xi32, #tpu.memory_space<vmem>>
        %dma_start3A_332 = tpu.memref_squeeze %dma_start3A_331 : memref<1x128xi32, #tpu.memory_space<vmem>> -> memref<128xi32, #tpu.memory_space<vmem>>
        %dma_start3A_333 = arith.constant 0 : i32
        %dma_start3A_334 = tpu.memref_slice %arg16[%dma_start3A_333] : memref<100352xi32, #tpu.memory_space<vmem_shared>> -> memref<100352xi32, #tpu.memory_space<vmem_shared>>
        tpu.enqueue_indirect_dma source(%arg9 : memref<128xi32, #tpu.memory_space<vmem>>) target(%dma_start3A_334 : memref<100352xi32, #tpu.memory_space<vmem_shared>>) offsets(%dma_start3A_332 : memref<128xi32, #tpu.memory_space<vmem>>) semaphore(%run_scoped3A_329 : memref<!tpu.dma_semaphore, #tpu.memory_space<semaphore_mem>>) {add = true}
        %dma_wait3A_335 = arith.constant 0 : i32
        %dma_wait3A_336 = tpu.memref_slice %arg8[%run_scoped3A_325, %dma_wait3A_335] : memref<16x128xi32, #tpu.memory_space<vmem>> -> memref<1x128xi32, #tpu.memory_space<vmem>>
        %dma_wait3A_337 = tpu.memref_squeeze %dma_wait3A_336 : memref<1x128xi32, #tpu.memory_space<vmem>> -> memref<128xi32, #tpu.memory_space<vmem>>
        %dma_wait3A_338 = arith.constant 0 : i32
        %dma_wait3A_339 = tpu.memref_slice %arg16[%dma_wait3A_338] : memref<100352xi32, #tpu.memory_space<vmem_shared>> -> memref<100352xi32, #tpu.memory_space<vmem_shared>>
        tpu.wait_indirect_dma semaphore(%run_scoped3A_329 : memref<!tpu.dma_semaphore, #tpu.memory_space<semaphore_mem>>) src(%arg9 : memref<128xi32, #tpu.memory_space<vmem>>) dst(%dma_wait3A_339 : memref<100352xi32, #tpu.memory_space<vmem_shared>>)
        tpu.yield
      }) : () -> ()
      %run_scoped3A_326 = arith.constant 13 : i32
      "tpu.region"() ({
        %run_scoped3A_329 = tpu.sem_alloc : memref<!tpu.dma_semaphore, #tpu.memory_space<semaphore_mem>>
        %dma_start3A_330 = arith.constant 0 : i32
        %dma_start3A_331 = tpu.memref_slice %arg8[%run_scoped3A_326, %dma_start3A_330] : memref<16x128xi32, #tpu.memory_space<vmem>> -> memref<1x128xi32, #tpu.memory_space<vmem>>
        %dma_start3A_332 = tpu.memref_squeeze %dma_start3A_331 : memref<1x128xi32, #tpu.memory_space<vmem>> -> memref<128xi32, #tpu.memory_space<vmem>>
        %dma_start3A_333 = arith.constant 0 : i32
        %dma_start3A_334 = tpu.memref_slice %arg16[%dma_start3A_333] : memref<100352xi32, #tpu.memory_space<vmem_shared>> -> memref<100352xi32, #tpu.memory_space<vmem_shared>>
        tpu.enqueue_indirect_dma source(%arg9 : memref<128xi32, #tpu.memory_space<vmem>>) target(%dma_start3A_334 : memref<100352xi32, #tpu.memory_space<vmem_shared>>) offsets(%dma_start3A_332 : memref<128xi32, #tpu.memory_space<vmem>>) semaphore(%run_scoped3A_329 : memref<!tpu.dma_semaphore, #tpu.memory_space<semaphore_mem>>) {add = true}
        %dma_wait3A_335 = arith.constant 0 : i32
        %dma_wait3A_336 = tpu.memref_slice %arg8[%run_scoped3A_326, %dma_wait3A_335] : memref<16x128xi32, #tpu.memory_space<vmem>> -> memref<1x128xi32, #tpu.memory_space<vmem>>
        %dma_wait3A_337 = tpu.memref_squeeze %dma_wait3A_336 : memref<1x128xi32, #tpu.memory_space<vmem>> -> memref<128xi32, #tpu.memory_space<vmem>>
        %dma_wait3A_338 = arith.constant 0 : i32
        %dma_wait3A_339 = tpu.memref_slice %arg16[%dma_wait3A_338] : memref<100352xi32, #tpu.memory_space<vmem_shared>> -> memref<100352xi32, #tpu.memory_space<vmem_shared>>
        tpu.wait_indirect_dma semaphore(%run_scoped3A_329 : memref<!tpu.dma_semaphore, #tpu.memory_space<semaphore_mem>>) src(%arg9 : memref<128xi32, #tpu.memory_space<vmem>>) dst(%dma_wait3A_339 : memref<100352xi32, #tpu.memory_space<vmem_shared>>)
        tpu.yield
      }) : () -> ()
      %run_scoped3A_327 = arith.constant 14 : i32
      "tpu.region"() ({
        %run_scoped3A_329 = tpu.sem_alloc : memref<!tpu.dma_semaphore, #tpu.memory_space<semaphore_mem>>
        %dma_start3A_330 = arith.constant 0 : i32
        %dma_start3A_331 = tpu.memref_slice %arg8[%run_scoped3A_327, %dma_start3A_330] : memref<16x128xi32, #tpu.memory_space<vmem>> -> memref<1x128xi32, #tpu.memory_space<vmem>>
        %dma_start3A_332 = tpu.memref_squeeze %dma_start3A_331 : memref<1x128xi32, #tpu.memory_space<vmem>> -> memref<128xi32, #tpu.memory_space<vmem>>
        %dma_start3A_333 = arith.constant 0 : i32
        %dma_start3A_334 = tpu.memref_slice %arg16[%dma_start3A_333] : memref<100352xi32, #tpu.memory_space<vmem_shared>> -> memref<100352xi32, #tpu.memory_space<vmem_shared>>
        tpu.enqueue_indirect_dma source(%arg9 : memref<128xi32, #tpu.memory_space<vmem>>) target(%dma_start3A_334 : memref<100352xi32, #tpu.memory_space<vmem_shared>>) offsets(%dma_start3A_332 : memref<128xi32, #tpu.memory_space<vmem>>) semaphore(%run_scoped3A_329 : memref<!tpu.dma_semaphore, #tpu.memory_space<semaphore_mem>>) {add = true}
        %dma_wait3A_335 = arith.constant 0 : i32
        %dma_wait3A_336 = tpu.memref_slice %arg8[%run_scoped3A_327, %dma_wait3A_335] : memref<16x128xi32, #tpu.memory_space<vmem>> -> memref<1x128xi32, #tpu.memory_space<vmem>>
        %dma_wait3A_337 = tpu.memref_squeeze %dma_wait3A_336 : memref<1x128xi32, #tpu.memory_space<vmem>> -> memref<128xi32, #tpu.memory_space<vmem>>
        %dma_wait3A_338 = arith.constant 0 : i32
        %dma_wait3A_339 = tpu.memref_slice %arg16[%dma_wait3A_338] : memref<100352xi32, #tpu.memory_space<vmem_shared>> -> memref<100352xi32, #tpu.memory_space<vmem_shared>>
        tpu.wait_indirect_dma semaphore(%run_scoped3A_329 : memref<!tpu.dma_semaphore, #tpu.memory_space<semaphore_mem>>) src(%arg9 : memref<128xi32, #tpu.memory_space<vmem>>) dst(%dma_wait3A_339 : memref<100352xi32, #tpu.memory_space<vmem_shared>>)
        tpu.yield
      }) : () -> ()
      %run_scoped3A_328 = arith.constant 15 : i32
      "tpu.region"() ({
        %run_scoped3A_329 = tpu.sem_alloc : memref<!tpu.dma_semaphore, #tpu.memory_space<semaphore_mem>>
        %dma_start3A_330 = arith.constant 0 : i32
        %dma_start3A_331 = tpu.memref_slice %arg8[%run_scoped3A_328, %dma_start3A_330] : memref<16x128xi32, #tpu.memory_space<vmem>> -> memref<1x128xi32, #tpu.memory_space<vmem>>
        %dma_start3A_332 = tpu.memref_squeeze %dma_start3A_331 : memref<1x128xi32, #tpu.memory_space<vmem>> -> memref<128xi32, #tpu.memory_space<vmem>>
        %dma_start3A_333 = arith.constant 0 : i32
        %dma_start3A_334 = tpu.memref_slice %arg16[%dma_start3A_333] : memref<100352xi32, #tpu.memory_space<vmem_shared>> -> memref<100352xi32, #tpu.memory_space<vmem_shared>>
        tpu.enqueue_indirect_dma source(%arg9 : memref<128xi32, #tpu.memory_space<vmem>>) target(%dma_start3A_334 : memref<100352xi32, #tpu.memory_space<vmem_shared>>) offsets(%dma_start3A_332 : memref<128xi32, #tpu.memory_space<vmem>>) semaphore(%run_scoped3A_329 : memref<!tpu.dma_semaphore, #tpu.memory_space<semaphore_mem>>) {add = true}
        %dma_wait3A_335 = arith.constant 0 : i32
        %dma_wait3A_336 = tpu.memref_slice %arg8[%run_scoped3A_328, %dma_wait3A_335] : memref<16x128xi32, #tpu.memory_space<vmem>> -> memref<1x128xi32, #tpu.memory_space<vmem>>
        %dma_wait3A_337 = tpu.memref_squeeze %dma_wait3A_336 : memref<1x128xi32, #tpu.memory_space<vmem>> -> memref<128xi32, #tpu.memory_space<vmem>>
        %dma_wait3A_338 = arith.constant 0 : i32
        %dma_wait3A_339 = tpu.memref_slice %arg16[%dma_wait3A_338] : memref<100352xi32, #tpu.memory_space<vmem_shared>> -> memref<100352xi32, #tpu.memory_space<vmem_shared>>
        tpu.wait_indirect_dma semaphore(%run_scoped3A_329 : memref<!tpu.dma_semaphore, #tpu.memory_space<semaphore_mem>>) src(%arg9 : memref<128xi32, #tpu.memory_space<vmem>>) dst(%dma_wait3A_339 : memref<100352xi32, #tpu.memory_space<vmem_shared>>)
        tpu.yield
      }) : () -> ()
    } else {
    }
    %barrier3A_18 = arith.constant 0 : index
    tpu.barrier barrier_id(%barrier3A_18)
    %dma_start3A_19 = arith.constant 0 : i32
    %dma_start3A_20 = tpu.memref_slice %arg16[%dma_start3A_19] : memref<100352xi32, #tpu.memory_space<vmem_shared>> -> memref<100352xi32, #tpu.memory_space<vmem_shared>>
    tpu.enqueue_indirect_dma source(%dma_start3A_20 : memref<100352xi32, #tpu.memory_space<vmem_shared>>) target(%arg14 : memref<128xi32, #tpu.memory_space<vmem>>) offsets(%arg10 : memref<128xi32, #tpu.memory_space<vmem>>) semaphore(%arg18 : memref<!tpu.dma_semaphore, #tpu.memory_space<semaphore_mem>>)
    %dma_wait3A_21 = arith.constant 0 : i32
    %dma_wait3A_22 = tpu.memref_slice %arg16[%dma_wait3A_21] : memref<100352xi32, #tpu.memory_space<vmem_shared>> -> memref<100352xi32, #tpu.memory_space<vmem_shared>>
    tpu.wait_indirect_dma semaphore(%arg18 : memref<!tpu.dma_semaphore, #tpu.memory_space<semaphore_mem>>) src(%dma_wait3A_22 : memref<100352xi32, #tpu.memory_space<vmem_shared>>) dst(%arg14 : memref<128xi32, #tpu.memory_space<vmem>>)
    %get3A = arith.constant 0 : index
    %get3A_23 = tpu.vector_load %arg14[%get3A] {strides = array<i32>} : memref<128xi32, #tpu.memory_space<vmem>>, vector<16xi32>,
    %get3A_24 = vector.shape_cast %get3A_23 : vector<16xi32> to vector<16xi32>
    %get3A_25 = arith.constant 0 : index
    %get3A_26 = tpu.vector_load %arg12[%get3A_25] {strides = array<i32>} : memref<128xi32, #tpu.memory_space<vmem>>, vector<16xi32>,
    %get3A_27 = vector.shape_cast %get3A_26 : vector<16xi32> to vector<16xi32>
    %sub3A = arith.subi %get3A_24, %get3A_27 : vector<16xi32>
    %convert_element_type3A_28 = arith.sitofp %sub3A : vector<16xi32> to vector<16xf32>
    %swap3A = arith.constant 0 : i32
    %swap3A_29 = arith.index_cast %swap3A : i32 to index
    %swap3A_30 = arith.constant 0 : index
    %swap3A_31 = tpu.vector_load %arg15[%swap3A_29, %swap3A_30] {strides = array<i32>} : memref<2x128xf32, #tpu.memory_space<vmem>>, vector<1x16xf32>,
    %swap3A_32 = vector.shape_cast %swap3A_31 : vector<1x16xf32> to vector<16xf32>
    %swap3A_33 = vector.shape_cast %convert_element_type3A_28 : vector<16xf32> to vector<1x16xf32>
    tpu.vector_store %arg15[%swap3A_29, %swap3A_30], %swap3A_33 {strides = array<i32>} : memref<2x128xf32, #tpu.memory_space<vmem>>, vector<1x16xf32>,
    %get3A_34 = arith.constant 16 : index
    %get3A_35 = tpu.vector_load %arg14[%get3A_34] {strides = array<i32>} : memref<128xi32, #tpu.memory_space<vmem>>, vector<16xi32>,
    %get3A_36 = vector.shape_cast %get3A_35 : vector<16xi32> to vector<16xi32>
    %get3A_37 = arith.constant 16 : index
    %get3A_38 = tpu.vector_load %arg12[%get3A_37] {strides = array<i32>} : memref<128xi32, #tpu.memory_space<vmem>>, vector<16xi32>,
    %get3A_39 = vector.shape_cast %get3A_38 : vector<16xi32> to vector<16xi32>
    %sub3A_40 = arith.subi %get3A_36, %get3A_39 : vector<16xi32>
    %convert_element_type3A_41 = arith.sitofp %sub3A_40 : vector<16xi32> to vector<16xf32>
    %swap3A_42 = arith.constant 0 : i32
    %swap3A_43 = arith.index_cast %swap3A_42 : i32 to index
    %swap3A_44 = arith.constant 16 : index
    %swap3A_45 = tpu.vector_load %arg15[%swap3A_43, %swap3A_44] {strides = array<i32>} : memref<2x128xf32, #tpu.memory_space<vmem>>, vector<1x16xf32>,
    %swap3A_46 = vector.shape_cast %swap3A_45 : vector<1x16xf32> to vector<16xf32>
    %swap3A_47 = vector.shape_cast %convert_element_type3A_41 : vector<16xf32> to vector<1x16xf32>
    tpu.vector_store %arg15[%swap3A_43, %swap3A_44], %swap3A_47 {strides = array<i32>} : memref<2x128xf32, #tpu.memory_space<vmem>>, vector<1x16xf32>,
    %get3A_48 = arith.constant 32 : index
    %get3A_49 = tpu.vector_load %arg14[%get3A_48] {strides = array<i32>} : memref<128xi32, #tpu.memory_space<vmem>>, vector<16xi32>,
    %get3A_50 = vector.shape_cast %get3A_49 : vector<16xi32> to vector<16xi32>
    %get3A_51 = arith.constant 32 : index
    %get3A_52 = tpu.vector_load %arg12[%get3A_51] {strides = array<i32>} : memref<128xi32, #tpu.memory_space<vmem>>, vector<16xi32>,
    %get3A_53 = vector.shape_cast %get3A_52 : vector<16xi32> to vector<16xi32>
    %sub3A_54 = arith.subi %get3A_50, %get3A_53 : vector<16xi32>
    %convert_element_type3A_55 = arith.sitofp %sub3A_54 : vector<16xi32> to vector<16xf32>
    %swap3A_56 = arith.constant 0 : i32
    %swap3A_57 = arith.index_cast %swap3A_56 : i32 to index
    %swap3A_58 = arith.constant 32 : index
    %swap3A_59 = tpu.vector_load %arg15[%swap3A_57, %swap3A_58] {strides = array<i32>} : memref<2x128xf32, #tpu.memory_space<vmem>>, vector<1x16xf32>,
    %swap3A_60 = vector.shape_cast %swap3A_59 : vector<1x16xf32> to vector<16xf32>
    %swap3A_61 = vector.shape_cast %convert_element_type3A_55 : vector<16xf32> to vector<1x16xf32>
    tpu.vector_store %arg15[%swap3A_57, %swap3A_58], %swap3A_61 {strides = array<i32>} : memref<2x128xf32, #tpu.memory_space<vmem>>, vector<1x16xf32>,
    %get3A_62 = arith.constant 48 : index
    %get3A_63 = tpu.vector_load %arg14[%get3A_62] {strides = array<i32>} : memref<128xi32, #tpu.memory_space<vmem>>, vector<16xi32>,
    %get3A_64 = vector.shape_cast %get3A_63 : vector<16xi32> to vector<16xi32>
    %get3A_65 = arith.constant 48 : index
    %get3A_66 = tpu.vector_load %arg12[%get3A_65] {strides = array<i32>} : memref<128xi32, #tpu.memory_space<vmem>>, vector<16xi32>,
    %get3A_67 = vector.shape_cast %get3A_66 : vector<16xi32> to vector<16xi32>
    %sub3A_68 = arith.subi %get3A_64, %get3A_67 : vector<16xi32>
    %convert_element_type3A_69 = arith.sitofp %sub3A_68 : vector<16xi32> to vector<16xf32>
    %swap3A_70 = arith.constant 0 : i32
    %swap3A_71 = arith.index_cast %swap3A_70 : i32 to index
    %swap3A_72 = arith.constant 48 : index
    %swap3A_73 = tpu.vector_load %arg15[%swap3A_71, %swap3A_72] {strides = array<i32>} : memref<2x128xf32, #tpu.memory_space<vmem>>, vector<1x16xf32>,
    %swap3A_74 = vector.shape_cast %swap3A_73 : vector<1x16xf32> to vector<16xf32>
    %swap3A_75 = vector.shape_cast %convert_element_type3A_69 : vector<16xf32> to vector<1x16xf32>
    tpu.vector_store %arg15[%swap3A_71, %swap3A_72], %swap3A_75 {strides = array<i32>} : memref<2x128xf32, #tpu.memory_space<vmem>>, vector<1x16xf32>,
    %get3A_76 = arith.constant 64 : index
    %get3A_77 = tpu.vector_load %arg14[%get3A_76] {strides = array<i32>} : memref<128xi32, #tpu.memory_space<vmem>>, vector<16xi32>,
    %get3A_78 = vector.shape_cast %get3A_77 : vector<16xi32> to vector<16xi32>
    %get3A_79 = arith.constant 64 : index
    %get3A_80 = tpu.vector_load %arg12[%get3A_79] {strides = array<i32>} : memref<128xi32, #tpu.memory_space<vmem>>, vector<16xi32>,
    %get3A_81 = vector.shape_cast %get3A_80 : vector<16xi32> to vector<16xi32>
    %sub3A_82 = arith.subi %get3A_78, %get3A_81 : vector<16xi32>
    %convert_element_type3A_83 = arith.sitofp %sub3A_82 : vector<16xi32> to vector<16xf32>
    %swap3A_84 = arith.constant 0 : i32
    %swap3A_85 = arith.index_cast %swap3A_84 : i32 to index
    %swap3A_86 = arith.constant 64 : index
    %swap3A_87 = tpu.vector_load %arg15[%swap3A_85, %swap3A_86] {strides = array<i32>} : memref<2x128xf32, #tpu.memory_space<vmem>>, vector<1x16xf32>,
    %swap3A_88 = vector.shape_cast %swap3A_87 : vector<1x16xf32> to vector<16xf32>
    %swap3A_89 = vector.shape_cast %convert_element_type3A_83 : vector<16xf32> to vector<1x16xf32>
    tpu.vector_store %arg15[%swap3A_85, %swap3A_86], %swap3A_89 {strides = array<i32>} : memref<2x128xf32, #tpu.memory_space<vmem>>, vector<1x16xf32>,
    %get3A_90 = arith.constant 80 : index
    %get3A_91 = tpu.vector_load %arg14[%get3A_90] {strides = array<i32>} : memref<128xi32, #tpu.memory_space<vmem>>, vector<16xi32>,
    %get3A_92 = vector.shape_cast %get3A_91 : vector<16xi32> to vector<16xi32>
    %get3A_93 = arith.constant 80 : index
    %get3A_94 = tpu.vector_load %arg12[%get3A_93] {strides = array<i32>} : memref<128xi32, #tpu.memory_space<vmem>>, vector<16xi32>,
    %get3A_95 = vector.shape_cast %get3A_94 : vector<16xi32> to vector<16xi32>
    %sub3A_96 = arith.subi %get3A_92, %get3A_95 : vector<16xi32>
    %convert_element_type3A_97 = arith.sitofp %sub3A_96 : vector<16xi32> to vector<16xf32>
    %swap3A_98 = arith.constant 0 : i32
    %swap3A_99 = arith.index_cast %swap3A_98 : i32 to index
    %swap3A_100 = arith.constant 80 : index
    %swap3A_101 = tpu.vector_load %arg15[%swap3A_99, %swap3A_100] {strides = array<i32>} : memref<2x128xf32, #tpu.memory_space<vmem>>, vector<1x16xf32>,
    %swap3A_102 = vector.shape_cast %swap3A_101 : vector<1x16xf32> to vector<16xf32>
    %swap3A_103 = vector.shape_cast %convert_element_type3A_97 : vector<16xf32> to vector<1x16xf32>
    tpu.vector_store %arg15[%swap3A_99, %swap3A_100], %swap3A_103 {strides = array<i32>} : memref<2x128xf32, #tpu.memory_space<vmem>>, vector<1x16xf32>,
    %get3A_104 = arith.constant 96 : index
    %get3A_105 = tpu.vector_load %arg14[%get3A_104] {strides = array<i32>} : memref<128xi32, #tpu.memory_space<vmem>>, vector<16xi32>,
    %get3A_106 = vector.shape_cast %get3A_105 : vector<16xi32> to vector<16xi32>
    %get3A_107 = arith.constant 96 : index
    %get3A_108 = tpu.vector_load %arg12[%get3A_107] {strides = array<i32>} : memref<128xi32, #tpu.memory_space<vmem>>, vector<16xi32>,
    %get3A_109 = vector.shape_cast %get3A_108 : vector<16xi32> to vector<16xi32>
    %sub3A_110 = arith.subi %get3A_106, %get3A_109 : vector<16xi32>
    %convert_element_type3A_111 = arith.sitofp %sub3A_110 : vector<16xi32> to vector<16xf32>
    %swap3A_112 = arith.constant 0 : i32
    %swap3A_113 = arith.index_cast %swap3A_112 : i32 to index
    %swap3A_114 = arith.constant 96 : index
    %swap3A_115 = tpu.vector_load %arg15[%swap3A_113, %swap3A_114] {strides = array<i32>} : memref<2x128xf32, #tpu.memory_space<vmem>>, vector<1x16xf32>,
    %swap3A_116 = vector.shape_cast %swap3A_115 : vector<1x16xf32> to vector<16xf32>
    %swap3A_117 = vector.shape_cast %convert_element_type3A_111 : vector<16xf32> to vector<1x16xf32>
    tpu.vector_store %arg15[%swap3A_113, %swap3A_114], %swap3A_117 {strides = array<i32>} : memref<2x128xf32, #tpu.memory_space<vmem>>, vector<1x16xf32>,
    %get3A_118 = arith.constant 112 : index
    %get3A_119 = tpu.vector_load %arg14[%get3A_118] {strides = array<i32>} : memref<128xi32, #tpu.memory_space<vmem>>, vector<16xi32>,
    %get3A_120 = vector.shape_cast %get3A_119 : vector<16xi32> to vector<16xi32>
    %get3A_121 = arith.constant 112 : index
    %get3A_122 = tpu.vector_load %arg12[%get3A_121] {strides = array<i32>} : memref<128xi32, #tpu.memory_space<vmem>>, vector<16xi32>,
    %get3A_123 = vector.shape_cast %get3A_122 : vector<16xi32> to vector<16xi32>
    %sub3A_124 = arith.subi %get3A_120, %get3A_123 : vector<16xi32>
    %convert_element_type3A_125 = arith.sitofp %sub3A_124 : vector<16xi32> to vector<16xf32>
    %swap3A_126 = arith.constant 0 : i32
    %swap3A_127 = arith.index_cast %swap3A_126 : i32 to index
    %swap3A_128 = arith.constant 112 : index
    %swap3A_129 = tpu.vector_load %arg15[%swap3A_127, %swap3A_128] {strides = array<i32>} : memref<2x128xf32, #tpu.memory_space<vmem>>, vector<1x16xf32>,
    %swap3A_130 = vector.shape_cast %swap3A_129 : vector<1x16xf32> to vector<16xf32>
    %swap3A_131 = vector.shape_cast %convert_element_type3A_125 : vector<16xf32> to vector<1x16xf32>
    tpu.vector_store %arg15[%swap3A_127, %swap3A_128], %swap3A_131 {strides = array<i32>} : memref<2x128xf32, #tpu.memory_space<vmem>>, vector<1x16xf32>,
    %dma_start3A_132 = arith.constant 0 : i32
    %dma_start3A_133 = tpu.memref_slice %arg16[%dma_start3A_132] : memref<100352xi32, #tpu.memory_space<vmem_shared>> -> memref<100352xi32, #tpu.memory_space<vmem_shared>>
    tpu.enqueue_indirect_dma source(%dma_start3A_133 : memref<100352xi32, #tpu.memory_space<vmem_shared>>) target(%arg14 : memref<128xi32, #tpu.memory_space<vmem>>) offsets(%arg11 : memref<128xi32, #tpu.memory_space<vmem>>) semaphore(%arg18 : memref<!tpu.dma_semaphore, #tpu.memory_space<semaphore_mem>>)
    %dma_wait3A_134 = arith.constant 0 : i32
    %dma_wait3A_135 = tpu.memref_slice %arg16[%dma_wait3A_134] : memref<100352xi32, #tpu.memory_space<vmem_shared>> -> memref<100352xi32, #tpu.memory_space<vmem_shared>>
    tpu.wait_indirect_dma semaphore(%arg18 : memref<!tpu.dma_semaphore, #tpu.memory_space<semaphore_mem>>) src(%dma_wait3A_135 : memref<100352xi32, #tpu.memory_space<vmem_shared>>) dst(%arg14 : memref<128xi32, #tpu.memory_space<vmem>>)
    %get3A_136 = arith.constant 0 : index
    %get3A_137 = tpu.vector_load %arg14[%get3A_136] {strides = array<i32>} : memref<128xi32, #tpu.memory_space<vmem>>, vector<16xi32>,
    %get3A_138 = vector.shape_cast %get3A_137 : vector<16xi32> to vector<16xi32>
    %get3A_139 = arith.constant 0 : index
    %get3A_140 = tpu.vector_load %arg13[%get3A_139] {strides = array<i32>} : memref<128xi32, #tpu.memory_space<vmem>>, vector<16xi32>,
    %get3A_141 = vector.shape_cast %get3A_140 : vector<16xi32> to vector<16xi32>
    %sub3A_142 = arith.subi %get3A_138, %get3A_141 : vector<16xi32>
    %convert_element_type3A_143 = arith.sitofp %sub3A_142 : vector<16xi32> to vector<16xf32>
    %swap3A_144 = arith.constant 1 : i32
    %swap3A_145 = arith.index_cast %swap3A_144 : i32 to index
    %swap3A_146 = arith.constant 0 : index
    %swap3A_147 = tpu.vector_load %arg15[%swap3A_145, %swap3A_146] {strides = array<i32>} : memref<2x128xf32, #tpu.memory_space<vmem>>, vector<1x16xf32>,
    %swap3A_148 = vector.shape_cast %swap3A_147 : vector<1x16xf32> to vector<16xf32>
    %swap3A_149 = vector.shape_cast %convert_element_type3A_143 : vector<16xf32> to vector<1x16xf32>
    tpu.vector_store %arg15[%swap3A_145, %swap3A_146], %swap3A_149 {strides = array<i32>} : memref<2x128xf32, #tpu.memory_space<vmem>>, vector<1x16xf32>,
    %get3A_150 = arith.constant 16 : index
    %get3A_151 = tpu.vector_load %arg14[%get3A_150] {strides = array<i32>} : memref<128xi32, #tpu.memory_space<vmem>>, vector<16xi32>,
    %get3A_152 = vector.shape_cast %get3A_151 : vector<16xi32> to vector<16xi32>
    %get3A_153 = arith.constant 16 : index
    %get3A_154 = tpu.vector_load %arg13[%get3A_153] {strides = array<i32>} : memref<128xi32, #tpu.memory_space<vmem>>, vector<16xi32>,
    %get3A_155 = vector.shape_cast %get3A_154 : vector<16xi32> to vector<16xi32>
    %sub3A_156 = arith.subi %get3A_152, %get3A_155 : vector<16xi32>
    %convert_element_type3A_157 = arith.sitofp %sub3A_156 : vector<16xi32> to vector<16xf32>
    %swap3A_158 = arith.constant 1 : i32
    %swap3A_159 = arith.index_cast %swap3A_158 : i32 to index
    %swap3A_160 = arith.constant 16 : index
    %swap3A_161 = tpu.vector_load %arg15[%swap3A_159, %swap3A_160] {strides = array<i32>} : memref<2x128xf32, #tpu.memory_space<vmem>>, vector<1x16xf32>,
    %swap3A_162 = vector.shape_cast %swap3A_161 : vector<1x16xf32> to vector<16xf32>
    %swap3A_163 = vector.shape_cast %convert_element_type3A_157 : vector<16xf32> to vector<1x16xf32>
    tpu.vector_store %arg15[%swap3A_159, %swap3A_160], %swap3A_163 {strides = array<i32>} : memref<2x128xf32, #tpu.memory_space<vmem>>, vector<1x16xf32>,
    %get3A_164 = arith.constant 32 : index
    %get3A_165 = tpu.vector_load %arg14[%get3A_164] {strides = array<i32>} : memref<128xi32, #tpu.memory_space<vmem>>, vector<16xi32>,
    %get3A_166 = vector.shape_cast %get3A_165 : vector<16xi32> to vector<16xi32>
    %get3A_167 = arith.constant 32 : index
    %get3A_168 = tpu.vector_load %arg13[%get3A_167] {strides = array<i32>} : memref<128xi32, #tpu.memory_space<vmem>>, vector<16xi32>,
    %get3A_169 = vector.shape_cast %get3A_168 : vector<16xi32> to vector<16xi32>
    %sub3A_170 = arith.subi %get3A_166, %get3A_169 : vector<16xi32>
    %convert_element_type3A_171 = arith.sitofp %sub3A_170 : vector<16xi32> to vector<16xf32>
    %swap3A_172 = arith.constant 1 : i32
    %swap3A_173 = arith.index_cast %swap3A_172 : i32 to index
    %swap3A_174 = arith.constant 32 : index
    %swap3A_175 = tpu.vector_load %arg15[%swap3A_173, %swap3A_174] {strides = array<i32>} : memref<2x128xf32, #tpu.memory_space<vmem>>, vector<1x16xf32>,
    %swap3A_176 = vector.shape_cast %swap3A_175 : vector<1x16xf32> to vector<16xf32>
    %swap3A_177 = vector.shape_cast %convert_element_type3A_171 : vector<16xf32> to vector<1x16xf32>
    tpu.vector_store %arg15[%swap3A_173, %swap3A_174], %swap3A_177 {strides = array<i32>} : memref<2x128xf32, #tpu.memory_space<vmem>>, vector<1x16xf32>,
    %get3A_178 = arith.constant 48 : index
    %get3A_179 = tpu.vector_load %arg14[%get3A_178] {strides = array<i32>} : memref<128xi32, #tpu.memory_space<vmem>>, vector<16xi32>,
    %get3A_180 = vector.shape_cast %get3A_179 : vector<16xi32> to vector<16xi32>
    %get3A_181 = arith.constant 48 : index
    %get3A_182 = tpu.vector_load %arg13[%get3A_181] {strides = array<i32>} : memref<128xi32, #tpu.memory_space<vmem>>, vector<16xi32>,
    %get3A_183 = vector.shape_cast %get3A_182 : vector<16xi32> to vector<16xi32>
    %sub3A_184 = arith.subi %get3A_180, %get3A_183 : vector<16xi32>
    %convert_element_type3A_185 = arith.sitofp %sub3A_184 : vector<16xi32> to vector<16xf32>
    %swap3A_186 = arith.constant 1 : i32
    %swap3A_187 = arith.index_cast %swap3A_186 : i32 to index
    %swap3A_188 = arith.constant 48 : index
    %swap3A_189 = tpu.vector_load %arg15[%swap3A_187, %swap3A_188] {strides = array<i32>} : memref<2x128xf32, #tpu.memory_space<vmem>>, vector<1x16xf32>,
    %swap3A_190 = vector.shape_cast %swap3A_189 : vector<1x16xf32> to vector<16xf32>
    %swap3A_191 = vector.shape_cast %convert_element_type3A_185 : vector<16xf32> to vector<1x16xf32>
    tpu.vector_store %arg15[%swap3A_187, %swap3A_188], %swap3A_191 {strides = array<i32>} : memref<2x128xf32, #tpu.memory_space<vmem>>, vector<1x16xf32>,
    %get3A_192 = arith.constant 64 : index
    %get3A_193 = tpu.vector_load %arg14[%get3A_192] {strides = array<i32>} : memref<128xi32, #tpu.memory_space<vmem>>, vector<16xi32>,
    %get3A_194 = vector.shape_cast %get3A_193 : vector<16xi32> to vector<16xi32>
    %get3A_195 = arith.constant 64 : index
    %get3A_196 = tpu.vector_load %arg13[%get3A_195] {strides = array<i32>} : memref<128xi32, #tpu.memory_space<vmem>>, vector<16xi32>,
    %get3A_197 = vector.shape_cast %get3A_196 : vector<16xi32> to vector<16xi32>
    %sub3A_198 = arith.subi %get3A_194, %get3A_197 : vector<16xi32>
    %convert_element_type3A_199 = arith.sitofp %sub3A_198 : vector<16xi32> to vector<16xf32>
    %swap3A_200 = arith.constant 1 : i32
    %swap3A_201 = arith.index_cast %swap3A_200 : i32 to index
    %swap3A_202 = arith.constant 64 : index
    %swap3A_203 = tpu.vector_load %arg15[%swap3A_201, %swap3A_202] {strides = array<i32>} : memref<2x128xf32, #tpu.memory_space<vmem>>, vector<1x16xf32>,
    %swap3A_204 = vector.shape_cast %swap3A_203 : vector<1x16xf32> to vector<16xf32>
    %swap3A_205 = vector.shape_cast %convert_element_type3A_199 : vector<16xf32> to vector<1x16xf32>
    tpu.vector_store %arg15[%swap3A_201, %swap3A_202], %swap3A_205 {strides = array<i32>} : memref<2x128xf32, #tpu.memory_space<vmem>>, vector<1x16xf32>,
    %get3A_206 = arith.constant 80 : index
    %get3A_207 = tpu.vector_load %arg14[%get3A_206] {strides = array<i32>} : memref<128xi32, #tpu.memory_space<vmem>>, vector<16xi32>,
    %get3A_208 = vector.shape_cast %get3A_207 : vector<16xi32> to vector<16xi32>
    %get3A_209 = arith.constant 80 : index
    %get3A_210 = tpu.vector_load %arg13[%get3A_209] {strides = array<i32>} : memref<128xi32, #tpu.memory_space<vmem>>, vector<16xi32>,
    %get3A_211 = vector.shape_cast %get3A_210 : vector<16xi32> to vector<16xi32>
    %sub3A_212 = arith.subi %get3A_208, %get3A_211 : vector<16xi32>
    %convert_element_type3A_213 = arith.sitofp %sub3A_212 : vector<16xi32> to vector<16xf32>
    %swap3A_214 = arith.constant 1 : i32
    %swap3A_215 = arith.index_cast %swap3A_214 : i32 to index
    %swap3A_216 = arith.constant 80 : index
    %swap3A_217 = tpu.vector_load %arg15[%swap3A_215, %swap3A_216] {strides = array<i32>} : memref<2x128xf32, #tpu.memory_space<vmem>>, vector<1x16xf32>,
    %swap3A_218 = vector.shape_cast %swap3A_217 : vector<1x16xf32> to vector<16xf32>
    %swap3A_219 = vector.shape_cast %convert_element_type3A_213 : vector<16xf32> to vector<1x16xf32>
    tpu.vector_store %arg15[%swap3A_215, %swap3A_216], %swap3A_219 {strides = array<i32>} : memref<2x128xf32, #tpu.memory_space<vmem>>, vector<1x16xf32>,
    %get3A_220 = arith.constant 96 : index
    %get3A_221 = tpu.vector_load %arg14[%get3A_220] {strides = array<i32>} : memref<128xi32, #tpu.memory_space<vmem>>, vector<16xi32>,
    %get3A_222 = vector.shape_cast %get3A_221 : vector<16xi32> to vector<16xi32>
    %get3A_223 = arith.constant 96 : index
    %get3A_224 = tpu.vector_load %arg13[%get3A_223] {strides = array<i32>} : memref<128xi32, #tpu.memory_space<vmem>>, vector<16xi32>,
    %get3A_225 = vector.shape_cast %get3A_224 : vector<16xi32> to vector<16xi32>
    %sub3A_226 = arith.subi %get3A_222, %get3A_225 : vector<16xi32>
    %convert_element_type3A_227 = arith.sitofp %sub3A_226 : vector<16xi32> to vector<16xf32>
    %swap3A_228 = arith.constant 1 : i32
    %swap3A_229 = arith.index_cast %swap3A_228 : i32 to index
    %swap3A_230 = arith.constant 96 : index
    %swap3A_231 = tpu.vector_load %arg15[%swap3A_229, %swap3A_230] {strides = array<i32>} : memref<2x128xf32, #tpu.memory_space<vmem>>, vector<1x16xf32>,
    %swap3A_232 = vector.shape_cast %swap3A_231 : vector<1x16xf32> to vector<16xf32>
    %swap3A_233 = vector.shape_cast %convert_element_type3A_227 : vector<16xf32> to vector<1x16xf32>
    tpu.vector_store %arg15[%swap3A_229, %swap3A_230], %swap3A_233 {strides = array<i32>} : memref<2x128xf32, #tpu.memory_space<vmem>>, vector<1x16xf32>,
    %get3A_234 = arith.constant 112 : index
    %get3A_235 = tpu.vector_load %arg14[%get3A_234] {strides = array<i32>} : memref<128xi32, #tpu.memory_space<vmem>>, vector<16xi32>,
    %get3A_236 = vector.shape_cast %get3A_235 : vector<16xi32> to vector<16xi32>
    %get3A_237 = arith.constant 112 : index
    %get3A_238 = tpu.vector_load %arg13[%get3A_237] {strides = array<i32>} : memref<128xi32, #tpu.memory_space<vmem>>, vector<16xi32>,
    %get3A_239 = vector.shape_cast %get3A_238 : vector<16xi32> to vector<16xi32>
    %sub3A_240 = arith.subi %get3A_236, %get3A_239 : vector<16xi32>
    %convert_element_type3A_241 = arith.sitofp %sub3A_240 : vector<16xi32> to vector<16xf32>
    %swap3A_242 = arith.constant 1 : i32
    %swap3A_243 = arith.index_cast %swap3A_242 : i32 to index
    %swap3A_244 = arith.constant 112 : index
    %swap3A_245 = tpu.vector_load %arg15[%swap3A_243, %swap3A_244] {strides = array<i32>} : memref<2x128xf32, #tpu.memory_space<vmem>>, vector<1x16xf32>,
    %swap3A_246 = vector.shape_cast %swap3A_245 : vector<1x16xf32> to vector<16xf32>
    %swap3A_247 = vector.shape_cast %convert_element_type3A_241 : vector<16xf32> to vector<1x16xf32>
    tpu.vector_store %arg15[%swap3A_243, %swap3A_244], %swap3A_247 {strides = array<i32>} : memref<2x128xf32, #tpu.memory_space<vmem>>, vector<1x16xf32>,
    %mul3A_248 = arith.constant 2 : i32
    %mul3A_249 = arith.muli %mul3A_248, %arg1 : i32
    %mul3A_250 = arith.constant 128 : i32
    %mul3A_251 = arith.muli %mul3A_249, %mul3A_250 : i32
    %run_scoped3A = arith.constant 0 : i32
    "tpu.region"() ({
      %run_scoped3A_264 = tpu.sem_alloc : memref<!tpu.dma_semaphore, #tpu.memory_space<semaphore_mem>>
      %dma_start3A_265 = arith.constant 0 : i32
      %dma_start3A_266 = tpu.memref_slice %arg15[%run_scoped3A, %dma_start3A_265] : memref<2x128xf32, #tpu.memory_space<vmem>> -> memref<1x128xf32, #tpu.memory_space<vmem>>
      %dma_start3A_267 = tpu.memref_squeeze %dma_start3A_266 : memref<1x128xf32, #tpu.memory_space<vmem>> -> memref<128xf32, #tpu.memory_space<vmem>>
      %dma_start3A_268 = tpu.memref_slice %arg5[%arg0, %mul3A_251] : memref<2x4096xf32, #tpu.memory_space<hbm>> -> memref<1x128xf32, #tpu.memory_space<hbm>>
      %dma_start3A_269 = tpu.memref_squeeze %dma_start3A_268 : memref<1x128xf32, #tpu.memory_space<hbm>> -> memref<128xf32, #tpu.memory_space<hbm>>
      %dma_start3A_270 = tpu.memref_slice %arg5[%arg0, %mul3A_251] : memref<2x4096xf32, #tpu.memory_space<hbm>> -> memref<1x128xf32, #tpu.memory_space<hbm>>
      %dma_start3A_271 = tpu.memref_squeeze %dma_start3A_270 : memref<1x128xf32, #tpu.memory_space<hbm>> -> memref<128xf32, #tpu.memory_space<hbm>>
      %dma_start3A_272 = arith.constant 0 : i32
      %dma_start3A_273 = tpu.memref_slice %arg15[%run_scoped3A, %dma_start3A_272] : memref<2x128xf32, #tpu.memory_space<vmem>> -> memref<1x128xf32, #tpu.memory_space<vmem>>
      %dma_start3A_274 = tpu.memref_squeeze %dma_start3A_273 : memref<1x128xf32, #tpu.memory_space<vmem>> -> memref<128xf32, #tpu.memory_space<vmem>>
      tpu.enqueue_dma source(%dma_start3A_274 : memref<128xf32, #tpu.memory_space<vmem>>) target(%dma_start3A_271 : memref<128xf32, #tpu.memory_space<hbm>>) target_semaphore(%run_scoped3A_264 : memref<!tpu.dma_semaphore, #tpu.memory_space<semaphore_mem>>)
      %dma_wait3A_275 = arith.constant 0 : i32
      %dma_wait3A_276 = tpu.memref_slice %arg15[%run_scoped3A, %dma_wait3A_275] : memref<2x128xf32, #tpu.memory_space<vmem>> -> memref<1x128xf32, #tpu.memory_space<vmem>>
      %dma_wait3A_277 = tpu.memref_squeeze %dma_wait3A_276 : memref<1x128xf32, #tpu.memory_space<vmem>> -> memref<128xf32, #tpu.memory_space<vmem>>
      %dma_wait3A_278 = tpu.memref_slice %arg5[%arg0, %mul3A_251] : memref<2x4096xf32, #tpu.memory_space<hbm>> -> memref<1x128xf32, #tpu.memory_space<hbm>>
      %dma_wait3A_279 = tpu.memref_squeeze %dma_wait3A_278 : memref<1x128xf32, #tpu.memory_space<hbm>> -> memref<128xf32, #tpu.memory_space<hbm>>
      %dma_wait3A_280 = tpu.memref_slice %arg5[%arg0, %mul3A_251] : memref<2x4096xf32, #tpu.memory_space<hbm>> -> memref<1x128xf32, #tpu.memory_space<hbm>>
      %dma_wait3A_281 = tpu.memref_squeeze %dma_wait3A_280 : memref<1x128xf32, #tpu.memory_space<hbm>> -> memref<128xf32, #tpu.memory_space<hbm>>
      %dma_wait3A_282 = arith.constant 0 : i32
      %dma_wait3A_283 = tpu.memref_slice %arg15[%run_scoped3A, %dma_wait3A_282] : memref<2x128xf32, #tpu.memory_space<vmem>> -> memref<1x128xf32, #tpu.memory_space<vmem>>
      %dma_wait3A_284 = tpu.memref_squeeze %dma_wait3A_283 : memref<1x128xf32, #tpu.memory_space<vmem>> -> memref<128xf32, #tpu.memory_space<vmem>>
      tpu.wait_dma2 semaphore(%run_scoped3A_264 : memref<!tpu.dma_semaphore, #tpu.memory_space<semaphore_mem>>) src(%dma_wait3A_284 : memref<128xf32, #tpu.memory_space<vmem>>) dst(%dma_wait3A_281 : memref<128xf32, #tpu.memory_space<hbm>>)
      tpu.yield
    }) : () -> ()
    %mul3A_252 = arith.constant 2 : i32
    %mul3A_253 = arith.muli %mul3A_252, %arg1 : i32
    %add3A_254 = arith.constant 1 : i32
    %add3A_255 = arith.addi %mul3A_253, %add3A_254 : i32
    %mul3A_256 = arith.constant 128 : i32
    %mul3A_257 = arith.muli %add3A_255, %mul3A_256 : i32
    %run_scoped3A_258 = arith.constant 1 : i32
    "tpu.region"() ({
      %run_scoped3A_264 = tpu.sem_alloc : memref<!tpu.dma_semaphore, #tpu.memory_space<semaphore_mem>>
      %dma_start3A_265 = arith.constant 0 : i32
      %dma_start3A_266 = tpu.memref_slice %arg15[%run_scoped3A_258, %dma_start3A_265] : memref<2x128xf32, #tpu.memory_space<vmem>> -> memref<1x128xf32, #tpu.memory_space<vmem>>
      %dma_start3A_267 = tpu.memref_squeeze %dma_start3A_266 : memref<1x128xf32, #tpu.memory_space<vmem>> -> memref<128xf32, #tpu.memory_space<vmem>>
      %dma_start3A_268 = tpu.memref_slice %arg5[%arg0, %mul3A_257] : memref<2x4096xf32, #tpu.memory_space<hbm>> -> memref<1x128xf32, #tpu.memory_space<hbm>>
      %dma_start3A_269 = tpu.memref_squeeze %dma_start3A_268 : memref<1x128xf32, #tpu.memory_space<hbm>> -> memref<128xf32, #tpu.memory_space<hbm>>
      %dma_start3A_270 = tpu.memref_slice %arg5[%arg0, %mul3A_257] : memref<2x4096xf32, #tpu.memory_space<hbm>> -> memref<1x128xf32, #tpu.memory_space<hbm>>
      %dma_start3A_271 = tpu.memref_squeeze %dma_start3A_270 : memref<1x128xf32, #tpu.memory_space<hbm>> -> memref<128xf32, #tpu.memory_space<hbm>>
      %dma_start3A_272 = arith.constant 0 : i32
      %dma_start3A_273 = tpu.memref_slice %arg15[%run_scoped3A_258, %dma_start3A_272] : memref<2x128xf32, #tpu.memory_space<vmem>> -> memref<1x128xf32, #tpu.memory_space<vmem>>
      %dma_start3A_274 = tpu.memref_squeeze %dma_start3A_273 : memref<1x128xf32, #tpu.memory_space<vmem>> -> memref<128xf32, #tpu.memory_space<vmem>>
      tpu.enqueue_dma source(%dma_start3A_274 : memref<128xf32, #tpu.memory_space<vmem>>) target(%dma_start3A_271 : memref<128xf32, #tpu.memory_space<hbm>>) target_semaphore(%run_scoped3A_264 : memref<!tpu.dma_semaphore, #tpu.memory_space<semaphore_mem>>)
      %dma_wait3A_275 = arith.constant 0 : i32
      %dma_wait3A_276 = tpu.memref_slice %arg15[%run_scoped3A_258, %dma_wait3A_275] : memref<2x128xf32, #tpu.memory_space<vmem>> -> memref<1x128xf32, #tpu.memory_space<vmem>>
      %dma_wait3A_277 = tpu.memref_squeeze %dma_wait3A_276 : memref<1x128xf32, #tpu.memory_space<vmem>> -> memref<128xf32, #tpu.memory_space<vmem>>
      %dma_wait3A_278 = tpu.memref_slice %arg5[%arg0, %mul3A_257] : memref<2x4096xf32, #tpu.memory_space<hbm>> -> memref<1x128xf32, #tpu.memory_space<hbm>>
      %dma_wait3A_279 = tpu.memref_squeeze %dma_wait3A_278 : memref<1x128xf32, #tpu.memory_space<hbm>> -> memref<128xf32, #tpu.memory_space<hbm>>
      %dma_wait3A_280 = tpu.memref_slice %arg5[%arg0, %mul3A_257] : memref<2x4096xf32, #tpu.memory_space<hbm>> -> memref<1x128xf32, #tpu.memory_space<hbm>>
      %dma_wait3A_281 = tpu.memref_squeeze %dma_wait3A_280 : memref<1x128xf32, #tpu.memory_space<hbm>> -> memref<128xf32, #tpu.memory_space<hbm>>
      %dma_wait3A_282 = arith.constant 0 : i32
      %dma_wait3A_283 = tpu.memref_slice %arg15[%run_scoped3A_258, %dma_wait3A_282] : memref<2x128xf32, #tpu.memory_space<vmem>> -> memref<1x128xf32, #tpu.memory_space<vmem>>
      %dma_wait3A_284 = tpu.memref_squeeze %dma_wait3A_283 : memref<1x128xf32, #tpu.memory_space<vmem>> -> memref<128xf32, #tpu.memory_space<vmem>>
      tpu.wait_dma2 semaphore(%run_scoped3A_264 : memref<!tpu.dma_semaphore, #tpu.memory_space<semaphore_mem>>) src(%dma_wait3A_284 : memref<128xf32, #tpu.memory_space<vmem>>) dst(%dma_wait3A_281 : memref<128xf32, #tpu.memory_space<hbm>>)
      tpu.yield
    }) : () -> ()
    %dma_wait3A_259 = arith.constant 0 : i32
    %dma_wait3A_260 = arith.constant 0 : i32
    %dma_wait3A_261 = tpu.memref_slice %arg2[%dma_wait3A_259, %dma_wait3A_260] : memref<100000x128xf32, #tpu.memory_space<hbm>> -> memref<100000x128xf32, #tpu.memory_space<hbm>>
    tpu.wait_indirect_dma semaphore(%arg17 : memref<!tpu.dma_semaphore, #tpu.memory_space<semaphore_mem>>) src(%dma_wait3A_261 : memref<100000x128xf32, #tpu.memory_space<hbm>>) dst(%arg7 : memref<128x128xf32, #tpu.memory_space<vmem>>)
    %mul3A_262 = arith.constant 128 : i32
    %mul3A_263 = arith.muli %add3A, %mul3A_262 : i32
    "tpu.region"() ({
      %run_scoped3A_264 = tpu.sem_alloc : memref<!tpu.dma_semaphore, #tpu.memory_space<semaphore_mem>>
      %dma_start3A_265 = arith.constant 0 : i32
      %dma_start3A_266 = tpu.memref_slice %arg4[%mul3A_263, %dma_start3A_265] : memref<4096x128xf32, #tpu.memory_space<hbm>> -> memref<128x128xf32, #tpu.memory_space<hbm>>
      %dma_start3A_267 = arith.constant 0 : i32
      %dma_start3A_268 = tpu.memref_slice %arg4[%mul3A_263, %dma_start3A_267] : memref<4096x128xf32, #tpu.memory_space<hbm>> -> memref<128x128xf32, #tpu.memory_space<hbm>>
      tpu.enqueue_dma source(%arg7 : memref<128x128xf32, #tpu.memory_space<vmem>>) target(%dma_start3A_268 : memref<128x128xf32, #tpu.memory_space<hbm>>) target_semaphore(%run_scoped3A_264 : memref<!tpu.dma_semaphore, #tpu.memory_space<semaphore_mem>>)
      %dma_wait3A_269 = arith.constant 0 : i32
      %dma_wait3A_270 = tpu.memref_slice %arg4[%mul3A_263, %dma_wait3A_269] : memref<4096x128xf32, #tpu.memory_space<hbm>> -> memref<128x128xf32, #tpu.memory_space<hbm>>
      %dma_wait3A_271 = arith.constant 0 : i32
      %dma_wait3A_272 = tpu.memref_slice %arg4[%mul3A_263, %dma_wait3A_271] : memref<4096x128xf32, #tpu.memory_space<hbm>> -> memref<128x128xf32, #tpu.memory_space<hbm>>
      tpu.wait_dma2 semaphore(%run_scoped3A_264 : memref<!tpu.dma_semaphore, #tpu.memory_space<semaphore_mem>>) src(%arg7 : memref<128x128xf32, #tpu.memory_space<vmem>>) dst(%dma_wait3A_272 : memref<128x128xf32, #tpu.memory_space<hbm>>)
      tpu.yield
    }) : () -> ()
    return
  }
}

module attributes {stable_mosaic.version = 14 : i64} {
  func.func @_loss_body(%arg0: i32, %arg1: memref<2048x128xf32, #tpu.memory_space<vmem>>, %arg2: memref<4096x128xf32, #tpu.memory_space<vmem>>, %arg3: memref<2x2048xf32, #tpu.memory_space<vmem>>, %arg4: memref<1x4096xf32, #tpu.memory_space<vmem>>, %arg5: memref<1x1xf32, #tpu.memory_space<smem>>) attributes {dimension_semantics = [#tpu.dimension_semantics<arbitrary>], iteration_bounds = array<i64: 2>, scalar_prefetch = 0 : i64, scratch_operands = 0 : i64, tpu.core_type = #tpu.core_type<tc>, window_params = [{transform_indices = @transform_0, window_bounds = array<i64: 2048, 128>}, {pipeline_mode = #tpu.pipeline_mode<synchronous>, transform_indices = @transform_1, window_bounds = array<i64: 4096, 128>}, {transform_indices = @transform_2, window_bounds = array<i64: 2, 2048>}, {pipeline_mode = #tpu.pipeline_mode<synchronous>, transform_indices = @transform_3, window_bounds = array<i64: 1, 4096>}, {transform_indices = @transform_4, window_bounds = array<i64: 1, 1>}]} {
    %get3A = arith.constant 0 : index
    %get3A_0 = arith.constant 0 : index
    %get3A_1 = vector.load %arg1[%get3A, %get3A_0] : memref<2048x128xf32, #tpu.memory_space<vmem>>, vector<2048x128xf32>
    %get3A_2 = arith.constant 0 : index
    %get3A_3 = arith.constant 0 : index
    %get3A_4 = vector.load %arg2[%get3A_2, %get3A_3] : memref<4096x128xf32, #tpu.memory_space<vmem>>, vector<4096x128xf32>
    %convert_element_type3A = arith.truncf %get3A_1 : vector<2048x128xf32> to vector<2048x128xbf16>
    %convert_element_type3A_5 = arith.truncf %get3A_4 : vector<4096x128xf32> to vector<4096x128xbf16>
    %dot_general3A = arith.constant dense<0.000000e+00> : vector<2048x4096xf32>
    %dot_general3A_6 = tpu.matmul %convert_element_type3A, %convert_element_type3A_5, %dot_general3A {dimension_numbers = #tpu.dot_dimension_numbers<[1], [1], [0], [0], [0, 0, 1, 0], [], []>, transpose_lhs_hint = false} : vector<2048x128xbf16>, vector<4096x128xbf16>, vector<2048x4096xf32> -> vector<2048x4096xf32>
    %max3A = arith.constant 0.000000e+00 : f32
    %max3A_7 = vector.broadcast %max3A : f32 to vector<2048x4096xf32>
    %max3A_8 = arith.maximumf %dot_general3A_6, %max3A_7 : vector<2048x4096xf32>
    %mul3A = arith.mulf %max3A_8, %max3A_8 : vector<2048x4096xf32>
    %reduce_sum3A = arith.constant dense<0.000000e+00> : vector<4096xf32>
    %reduce_sum3A_9 = vector.multi_reduction <add>, %mul3A, %reduce_sum3A [0] : vector<2048x4096xf32> to vector<4096xf32>
    %broadcast_in_dim3A = vector.shape_cast %reduce_sum3A_9 : vector<4096xf32> to vector<1x4096xf32>
    %mul3A_10 = arith.constant 2048 : i32
    %mul3A_11 = arith.muli %arg0, %mul3A_10 : i32
    %get3A_12 = arith.index_cast %mul3A_11 : i32 to index
    %get3A_13 = arith.constant 0 : index
    %get3A_14 = vector.load %arg2[%get3A_12, %get3A_13] : memref<4096x128xf32, #tpu.memory_space<vmem>>, vector<2048x128xf32>
    %mul3A_15 = arith.mulf %get3A_1, %get3A_14 : vector<2048x128xf32>
    %broadcast_in_dim3A_16 = arith.constant 1.000000e+00 : f32
    %broadcast_in_dim3A_17 = vector.broadcast %broadcast_in_dim3A_16 : f32 to vector<128x128xf32>
    %dot_general3A_18 = arith.constant dense<0.000000e+00> : vector<2048x128xf32>
    %dot_general3A_19 = tpu.matmul %mul3A_15, %broadcast_in_dim3A_17, %dot_general3A_18 {dimension_numbers = #tpu.dot_dimension_numbers<[1], [0], [0], [1], [0, 0, 1, 1], [], []>, transpose_lhs_hint = false} : vector<2048x128xf32>, vector<128x128xf32>, vector<2048x128xf32> -> vector<2048x128xf32>
    %get3A_20 = arith.constant 0 : index
    %get3A_21 = arith.constant 0 : index
    %get3A_22 = vector.load %arg3[%get3A_20, %get3A_21] : memref<2x2048xf32, #tpu.memory_space<vmem>>, vector<1x2048xf32>
    %get3A_23 = vector.shape_cast %get3A_22 : vector<1x2048xf32> to vector<2048xf32>
    %get3A_24 = arith.constant 1 : index
    %get3A_25 = arith.constant 0 : index
    %get3A_26 = vector.load %arg3[%get3A_24, %get3A_25] : memref<2x2048xf32, #tpu.memory_space<vmem>>, vector<1x2048xf32>
    %get3A_27 = vector.shape_cast %get3A_26 : vector<1x2048xf32> to vector<2048xf32>
    %add3A = arith.addf %get3A_23, %get3A_27 : vector<2048xf32>
    %broadcast_in_dim3A_28 = vector.shape_cast %add3A : vector<2048xf32> to vector<2048x1xf32>
    %max3A_29 = arith.constant 0.000000e+00 : f32
    %max3A_30 = vector.broadcast %max3A_29 : f32 to vector<2048x128xf32>
    %max3A_31 = arith.maximumf %dot_general3A_19, %max3A_30 : vector<2048x128xf32>
    %mul3A_32 = arith.constant 2.000000e+00 : f32
    %mul3A_33 = vector.broadcast %mul3A_32 : f32 to vector<2048x128xf32>
    %mul3A_34 = arith.mulf %mul3A_33, %max3A_31 : vector<2048x128xf32>
    %sub3A = arith.constant 1.000000e+00 : f32
    %sub3A_35 = vector.broadcast %sub3A : f32 to vector<2048x128xf32>
    %sub3A_36 = arith.subf %sub3A_35, %mul3A_34 : vector<2048x128xf32>
    %mul3A_37 = vector.broadcast %broadcast_in_dim3A_28 : vector<2048x1xf32> to vector<2048x128xf32>
    %mul3A_38 = arith.mulf %mul3A_37, %sub3A_36 : vector<2048x128xf32>
    %reduce_sum3A_39 = arith.constant dense<0.000000e+00> : vector<128xf32>
    %reduce_sum3A_40 = vector.multi_reduction <add>, %mul3A_38, %reduce_sum3A_39 [0] : vector<2048x128xf32> to vector<128xf32>
    %broadcast_in_dim3A_41 = vector.shape_cast %reduce_sum3A_40 : vector<128xf32> to vector<1x128xf32>
    %eq3A = arith.constant 0 : i32
    %eq3A_42 = arith.cmpi eq, %arg0, %eq3A : i32
    %convert_element_type3A_43 = arith.extui %eq3A_42 : i1 to i32
    %cond3A = arith.constant 0 : i32
    %cond3A_44 = arith.cmpi ne, %convert_element_type3A_43, %cond3A : i32
    scf.if %cond3A_44 {
      %broadcast_in_dim3A_70 = arith.constant 0.000000e+00 : f32
      %broadcast_in_dim3A_71 = vector.broadcast %broadcast_in_dim3A_70 : f32 to vector<1x4096xf32>
      %swap3A_72 = arith.constant 0 : index
      %swap3A_73 = arith.constant 0 : index
      %swap3A_74 = vector.load %arg4[%swap3A_72, %swap3A_73] : memref<1x4096xf32, #tpu.memory_space<vmem>>, vector<1x4096xf32>
      tpu.vector_store %arg4[%swap3A_72, %swap3A_73], %broadcast_in_dim3A_71 {strides = array<i32>} : memref<1x4096xf32, #tpu.memory_space<vmem>>, vector<1x4096xf32>,
      %swap3A_75 = arith.constant 0.000000e+00 : f32
      %swap3A_76 = arith.constant 0 : index
      %swap3A_77 = arith.constant 0 : index
      %swap3A_78 = memref.load %arg5[%swap3A_76, %swap3A_77] : memref<1x1xf32, #tpu.memory_space<smem>>
      memref.store %swap3A_75, %arg5[%swap3A_76, %swap3A_77] : memref<1x1xf32, #tpu.memory_space<smem>>
    } else {
    }
    %get3A_45 = arith.constant 0 : index
    %get3A_46 = arith.constant 0 : index
    %get3A_47 = vector.load %arg4[%get3A_45, %get3A_46] : memref<1x4096xf32, #tpu.memory_space<vmem>>, vector<1x4096xf32>
    %add3A_48 = arith.addf %get3A_47, %broadcast_in_dim3A : vector<1x4096xf32>
    %swap3A = arith.constant 0 : index
    %swap3A_49 = arith.constant 0 : index
    %swap3A_50 = vector.load %arg4[%swap3A, %swap3A_49] : memref<1x4096xf32, #tpu.memory_space<vmem>>, vector<1x4096xf32>
    tpu.vector_store %arg4[%swap3A, %swap3A_49], %add3A_48 {strides = array<i32>} : memref<1x4096xf32, #tpu.memory_space<vmem>>, vector<1x4096xf32>,
    %get3A_51 = arith.constant 0 : index
    %get3A_52 = arith.constant 0 : index
    %get3A_53 = memref.load %arg5[%get3A_51, %get3A_52] : memref<1x1xf32, #tpu.memory_space<smem>>
    %reduce_sum3A_54 = vector.shape_cast %broadcast_in_dim3A_41 : vector<1x128xf32> to vector<1x1x128xf32>
    %reduce_sum3A_55 = arith.constant dense<0.000000e+00> : vector<1xf32>
    %reduce_sum3A_56 = vector.multi_reduction <add>, %reduce_sum3A_54, %reduce_sum3A_55 [1, 2] : vector<1x1x128xf32> to vector<1xf32>
    %reduce_sum3A_57 = vector.shape_cast %reduce_sum3A_56 : vector<1xf32> to vector<1x1x1xf32>
    %reduce_sum3A_58 = vector.extract %reduce_sum3A_57[0, 0, 0] : f32 from vector<1x1x1xf32>
    %mul3A_59 = arith.constant 7.812500e-03 : f32
    %mul3A_60 = arith.mulf %reduce_sum3A_58, %mul3A_59 : f32
    %add3A_61 = arith.addf %get3A_53, %mul3A_60 : f32
    %swap3A_62 = arith.constant 0 : index
    %swap3A_63 = arith.constant 0 : index
    %swap3A_64 = memref.load %arg5[%swap3A_62, %swap3A_63] : memref<1x1xf32, #tpu.memory_space<smem>>
    memref.store %add3A_61, %arg5[%swap3A_62, %swap3A_63] : memref<1x1xf32, #tpu.memory_space<smem>>
    %eq3A_65 = arith.constant 1 : i32
    %eq3A_66 = arith.cmpi eq, %arg0, %eq3A_65 : i32
    %convert_element_type3A_67 = arith.extui %eq3A_66 : i1 to i32
    %cond3A_68 = arith.constant 0 : i32
    %cond3A_69 = arith.cmpi ne, %convert_element_type3A_67, %cond3A_68 : i32
    scf.if %cond3A_69 {
      %get3A_70 = arith.constant 0 : index
      %get3A_71 = arith.constant 0 : index
      %get3A_72 = memref.load %arg5[%get3A_70, %get3A_71] : memref<1x1xf32, #tpu.memory_space<smem>>
      %get3A_73 = arith.constant 0 : index
      %get3A_74 = arith.constant 0 : index
      %get3A_75 = vector.load %arg4[%get3A_73, %get3A_74] : memref<1x4096xf32, #tpu.memory_space<vmem>>, vector<1x4096xf32>
      %reduce_sum3A_76 = vector.shape_cast %get3A_75 : vector<1x4096xf32> to vector<1x1x4096xf32>
      %reduce_sum3A_77 = arith.constant dense<0.000000e+00> : vector<1xf32>
      %reduce_sum3A_78 = vector.multi_reduction <add>, %reduce_sum3A_76, %reduce_sum3A_77 [1, 2] : vector<1x1x4096xf32> to vector<1xf32>
      %reduce_sum3A_79 = vector.shape_cast %reduce_sum3A_78 : vector<1xf32> to vector<1x1x1xf32>
      %reduce_sum3A_80 = vector.extract %reduce_sum3A_79[0, 0, 0] : f32 from vector<1x1x1xf32>
      %add3A_81 = arith.addf %get3A_72, %reduce_sum3A_80 : f32
      %swap3A_82 = arith.constant 0 : index
      %swap3A_83 = arith.constant 0 : index
      %swap3A_84 = memref.load %arg5[%swap3A_82, %swap3A_83] : memref<1x1xf32, #tpu.memory_space<smem>>
      memref.store %add3A_81, %arg5[%swap3A_82, %swap3A_83] : memref<1x1xf32, #tpu.memory_space<smem>>
    } else {
    }
    return
  }
  func.func @transform_0(%arg0: i32) -> (i32, i32) {
    %c0_i32 = arith.constant 0 : i32
    %c0_i32_0 = arith.constant 0 : i32
    return %arg0, %c0_i32 : i32, i32
  }
  func.func @transform_1(%arg0: i32) -> (i32, i32) {
    %c0_i32 = arith.constant 0 : i32
    %c0_i32_0 = arith.constant 0 : i32
    %c0_i32_1 = arith.constant 0 : i32
    return %c0_i32, %c0_i32_0 : i32, i32
  }
  func.func @transform_2(%arg0: i32) -> (i32, i32) {
    %c0_i32 = arith.constant 0 : i32
    %c0_i32_0 = arith.constant 0 : i32
    return %c0_i32, %arg0 : i32, i32
  }
  func.func @transform_3(%arg0: i32) -> (i32, i32) {
    %c0_i32 = arith.constant 0 : i32
    %c0_i32_0 = arith.constant 0 : i32
    %c0_i32_1 = arith.constant 0 : i32
    return %c0_i32, %c0_i32_0 : i32, i32
  }
  func.func @transform_4(%arg0: i32) -> (i32, i32) {
    %c0_i32 = arith.constant 0 : i32
    %c0_i32_0 = arith.constant 0 : i32
    %c0_i32_1 = arith.constant 0 : i32
    return %c0_i32, %c0_i32_0 : i32, i32
  }
}

</mosaic_0001>

<sc_bundles>
// kernel: kernel.4.cloned.1.call-start
scs
__scs_entry_jumppad:
0x0: {  	(pc) =	sbr.rel $0x88, $3  }
0x1: {  	(tag) =	ssettag $0x0;
	lr =	simm.s32 $0x1  }
0x2: {  	[smem:$0x3F9E] =	sst lr;
	_ =	strace $0xD0000000  }
0x3: {  	_ = 	snop  }
0x4: {  	_ = 	snop  }
0x5: {  	_ = 	snop  }
0x6: {  	_ = 	snop  }
0x7: {  	_ = 	snop  }
__scs_overlays_trampoline_lowered:
0x8: {  	[smem:$0x3FAD] =	sst s0  }
0x9: {  	[smem:$0x3FAE] =	sst s1  }
0xa: {  	[smem:$0x3FAF] =	sst s2  }
0xb: {  	[smem:$0x3FB0] =	sst s3  }
0xc: {  	[smem:$0x3FB1] =	sst s4  }
0xd: {  	[smem:$0x3FB2] =	sst s5  }
0xe: {  	[smem:$0x3FB3] =	sst s6  }
0xf: {  	[smem:$0x3FB4] =	sst s7  }
0x10: {  	[smem:$0x3FB5] =	sst s8  }
0x11: {  	[smem:$0x3FB6] =	sst s9;
	s0 =	simm.s32 @!p0 $0x0  }
0x12: {  	s1 =	sld [smem:$0x3F9C];
	s0 =	simm.s32 @p0 $0x1  }
0x13: {  	[smem:$0x3FB7] =	sst s0;
	s0 =	simm.s32 @!p1 $0x0  }
0x14: {  	s2 =	sld [smem:$0x3F9B];
	s0 =	simm.s32 @p1 $0x1  }
0x15: {  	[smem:$0x3FB8] =	sst s0;
	s0 =	simm.s32 @!p2 $0x0  }
0x16: {  	s3 =	sld [smem:$0x3FDB];
	s0 =	simm.s32 @p2 $0x1  }
0x17: {  	s4 =	simm.s32 $0x1BF5;
	[smem:$0x3FBA] =	sst s0  }
0x18: {  	s0 =	sld [smem:$0x3F9D];
	_ =	swait.ge [sflag:s4], $0x0  }
0x19: {  	s7 =	sld [smem:$0x3F9E]  }
0x1a: {  	s8 =	sadd.s32 $0xFFFFE003, lr  }
0x1b: {  	s9 =	sadd.s32 $0xFFFFFEF7, lr;
	s5 =	simm.s32 $0xFFFFFFFF;
	p2 =	slt.u32 s8, $0xFFFFF086  }
0x1c: {  	p1 =	slt.u32 s9, $0xF7A;
	s5 =	simm.s32 @!p2 $0x0  }
0x1d: {  	s5 =	simm.s32 @p1 $0x1;
	p0 =	seq.s32 s7, s2  }
0x1e: {  	s7 =	smul.u32 @!p0 $0xF7A, s2;
	p2 =	seq.s32 @!p0 s5, $0x0  }
0x1f: {  	s9 =	smul.u32 $0xF7A, s1;
	s8 =	simm.s32 @!p0 $0x1BF5;
	p2 =	por !p2, p0  }
0x20: {  	[sflag:s8] =	ssyncset.s32 @!p0 $0xFFFFF086;
	s6 =	sadd.s32 @!p0 s3, s7;
	s7 =	simm.s32 @!p0 $0x108  }
0x21: {  	s3 =	sadd.s32 s3, s9;
	s6 =	sadd.s32 @!p0 $0x88, s6;
	s7 =	simm.s32 @p2 $0x1082  }
0x22: {  	[simem:s7], [sflag:s8] =	dma.local @!p0 [hbm:s6], $0xF7A  }
0x23: {  	s9 =	sor.u32 $0xD0000000, s2;
	s6 =	simm.s32 $0x108;
	_ =	swait.ge @!p0 [sflag:s8], $0x0  }
0x24: {  	s3 =	sadd.s32 $0x88, s3;
	s6 =	simm.s32 @!p1 $0x1082;
	[sflag:s4] =	ssyncset.s32 $0xFFFFF086  }
0x25: {  	[simem:s6], [sflag:s4] =	dma.local [hbm:s3], $0xF7A  }
0x26: {  	[smem:$0x3F9E] =	sst s1;
	(tag) =	ssettag s2;
	_ =	strace s9  }
0x27: {  	s1 =	sld [smem:$0x3FAE]  }
0x28: {  	s2 =	sld [smem:$0x3FAF]  }
0x29: {  	s4 =	sld [smem:$0x3FB1]  }
0x2a: {  	p0 =	seq.s32 s5, $0x0;
	s5 =	sld [smem:$0x3FB2]  }
0x2b: {  	s6 =	sld [smem:$0x3FB3]  }
0x2c: {  	s7 =	sld [smem:$0x3FB4]  }
0x2d: {  	s3 =	simm.s32 $0x108;
	s8 =	sld [smem:$0x3FB5]  }
0x2e: {  	s3 =	simm.s32 @!p0 $0x1082;
	s9 =	sld [smem:$0x3FB6]  }
0x2f: {  	lr =	sadd.s32 s0, s3;
	s0 =	sld [smem:$0x3FAD]  }
0x30: {  	s3 =	sld [smem:$0x3FB0]  }
0x31: {  	[smem:$0x3FB9] =	sst s10  }
0x32: {  	s10 =	sld [smem:$0x3FB7];
	_ =	sdelay $0x3  }
0x33: {  	p0 =	seq.s32 s10, $0x1;
	s10 =	sld [smem:$0x3FB9];
	_ =	sdelay $0x3  }
0x34: {  	[smem:$0x3FB9] =	sst s10  }
0x35: {  	s10 =	sld [smem:$0x3FB8];
	_ =	sdelay $0x3  }
0x36: {  	p1 =	seq.s32 s10, $0x1;
	s10 =	sld [smem:$0x3FB9];
	_ =	sdelay $0x3  }
0x37: {  	[smem:$0x3FB9] =	sst s10  }
0x38: {  	s10 =	sld [smem:$0x3FBA]  }
0x39: {  	_ = 	snop;
	(pc) =	sbr.ind lr, $3  }
0x3a: {  	_ = 	snop  }
0x3b: {  	_ = 	snop  }
0x3c: {  	p2 =	seq.s32 s10, $0x1;
	s10 =	sld [smem:$0x3FB9]  }
0x3d: {  	_ =	shalt  }
0x3e: {  	_ =	shalt  }
0x3f: {  	_ =	shalt  }
0x40: {  	_ =	shalt  }
0x41: {  	_ =	shalt  }
0x42: {  	_ =	shalt  }
0x43: {  	_ =	shalt  }
0x44: {  	_ =	shalt  }
0x45: {  	_ =	shalt  }
0x46: {  	_ =	shalt  }
0x47: {  	_ =	shalt  }
0x48: {  	_ =	shalt  }
0x49: {  	_ =	shalt  }
0x4a: {  	_ =	shalt  }
0x4b: {  	_ =	shalt  }
0x4c: {  	_ =	shalt  }
0x4d: {  	_ =	shalt  }
0x4e: {  	_ =	shalt  }
0x4f: {  	_ =	shalt  }
0x50: {  	_ =	shalt  }
0x51: {  	_ =	shalt  }
0x52: {  	_ =	shalt  }
0x53: {  	_ =	shalt  }
0x54: {  	_ =	shalt  }
0x55: {  	_ =	shalt  }
0x56: {  	_ =	shalt  }
0x57: {  	_ =	shalt  }
0x58: {  	_ =	shalt  }
0x59: {  	_ =	shalt  }
0x5a: {  	_ =	shalt  }
0x5b: {  	_ =	shalt  }
0x5c: {  	_ =	shalt  }
0x5d: {  	_ =	shalt  }
0x5e: {  	_ =	shalt  }
0x5f: {  	_ =	shalt  }
0x60: {  	_ =	shalt  }
0x61: {  	_ =	shalt  }
0x62: {  	_ =	shalt  }
0x63: {  	_ =	shalt  }
0x64: {  	_ =	shalt  }
0x65: {  	_ =	shalt  }
0x66: {  	_ =	shalt  }
0x67: {  	_ =	shalt  }
0x68: {  	_ =	shalt  }
0x69: {  	_ =	shalt  }
0x6a: {  	_ =	shalt  }
0x6b: {  	_ =	shalt  }
0x6c: {  	_ =	shalt  }
0x6d: {  	_ =	shalt  }
0x6e: {  	_ =	shalt  }
0x6f: {  	_ =	shalt  }
0x70: {  	_ =	shalt  }
0x71: {  	_ =	shalt  }
0x72: {  	_ =	shalt  }
0x73: {  	_ =	shalt  }
0x74: {  	_ =	shalt  }
0x75: {  	_ =	shalt  }
0x76: {  	_ =	shalt  }
0x77: {  	_ =	shalt  }
0x78: {  	_ =	shalt  }
0x79: {  	_ =	shalt  }
0x7a: {  	_ =	shalt  }
0x7b: {  	_ =	shalt  }
0x7c: {  	_ =	shalt  }
0x7d: {  	_ =	shalt  }
0x7e: {  	_ =	shalt  }
0x7f: {  	_ =	shalt  }
0x80: {  	_ =	shalt  }
0x81: {  	_ =	shalt  }
0x82: {  	_ =	shalt  }
0x83: {  	_ =	shalt  }
0x84: {  	_ =	shalt  }
0x85: {  	_ =	shalt  }
0x86: {  	_ =	shalt  }
0x87: {  	_ =	shalt  }
.Lfunc_end0:
.L_simem_size_0:
called_computation_lowered:
.L_overlay_start_0:
0x88: {  	s2 =	sld [smem:$0x3FD9]  }
0x89: {  	s3 =	sld [smem:$0x3FFE];
	_ =	sdelay $0x1  }
0x8a: {  	s1 =	srdreg.scid  }
0x8b: {  	s0 =	sand.u32 $0x1, s1  }
0x8c: {  	s17 =	sshll.u32 s0, $0xA;
	s2 =	sadd.s32 s3, s2  }
0x8d: {  	s2 =	sadd.s32 s2, s17  }
0x8e: {  	[smem:$0x3FC5] =	sst s2  }
0x8f: {  	_ = 	snop  }
0x90: {  	s2 =	sld [smem:$0x3FC8]  }
0x91: {  	s18 =	sld [smem:$0x3FC7];
	(tm) =	ssettm $0x1  }
0x92: {  	s4 =	sld [smem:$0x3FFB];
	_ =	sdelay $0x3  }
0x93: {  	_ =	strace s4  }
0x94: {  	s4 =	sld [smem:$0x3FFC];
	_ =	sdelay $0x3  }
0x95: {  	_ =	strace s4  }
0x96: {  	s4 =	sld [smem:$0x3FFD];
	_ =	sdelay $0x3  }
0x97: {  	_ =	strace s4  }
0x98: {  	_ =	strace $0x8FFFFFFF  }
0x99: {  	s19 =	sld [smem:$0x3FDB];
	_ =	sdelay $0x1  }
0x9a: {  	s5 =	simm.s32 $_scs_section_size  }
0x9b: {  	s6 =	simm.s32 $_size__tile_overlayer_lowered;
	s7 =	simm.s32 $_tile_overlayer_lowered  }
0x9c: {  	s22 =	simm.s32 $0x1BFF;
	s21 =	sshll.u32 s7, $0x1;
	s4 =	sadd.s32 s5, s19  }
0x9d: {  	s8 =	simm.s32 $0x0;
	s20 =	sshll.u32 s6, $0x1;
	s6 =	sadd.s32 s21, s4  }
0x9e: {  	[timem:s8], [sflag:s22] =	dma.local [hbm:s6], s20  }
0x9f: {  	_ =	swait.ge [sflag:s22], s20  }
0xa0: {  	s5 =	ssub.s32 $0x0, s20;
	[sflag:s22] =	ssyncset.done $0x0  }
0xa1: {  	[sflag:s22] =	ssyncadd.s32 s5;
	_ =	sdelay $0x1  }
0xa2: {  	s23 =	simm.s32 $0x1B8B  }
0xa3: {  	_ =	swait.ge [sflag:s23], $0x1  }
0xa4: {  	[sflag:s23] =	ssyncset.done $0x0  }
0xa5: {  	s25 =	simm.s32 $0x1B8E;
	s24 =	sld [smem:$0x3FFE];
	[sflag:s23] =	ssyncadd.s32 $0xFFFFFFFF  }
0xa6: {  	s26 =	simm.s32 $execute0_lowered;
	[smem:$0x3FD2] =	sst s25  }
0xa7: {  	s6 =	sshll.u32 s26, $0x1;
	_ =	strace $0x80000046;
	[dreg:$0x1] =	wrdreg $0xFFFFFFFF  }
0xa8: {  	s28 =	simm.s32 $_size_execute0_lowered;
	s4 =	sadd.s32 s4, s6;
	[dreg:$0x0] =	wrdreg $0x0  }
0xa9: {  	s6 =	sshll.u32 s28, $0x1;
	[dreg:$0x2] =	wrdreg s4  }
0xaa: {  	[dreg:$0x3] =	wrdreg s6  }
0xab: {  	[dreg:$0x4] =	wrdreg $0xC0  }
0xac: {  	_ =	task [dreg:s8], $0x5FFFF  }
0xad: {  	[dreg:$0x1] =	wrdreg $0xFFFFFFFF  }
0xae: {  	[dreg:$0x0] =	wrdreg $0x60  }
0xaf: {  	[dreg:$0x2] =	wrdreg s18  }
0xb0: {  	[dreg:$0x3] =	wrdreg s2  }
0xb1: {  	[dreg:$0x4] =	wrdreg s24  }
0xb2: {  	[dreg:$0x5] =	wrdreg $0x4C800  }
0xb3: {  	[dreg:$0x6] =	wrdreg $0x9  }
0xb4: {  	_ =	task.clear_ibuf [dreg:s8], $0x7FFFF;
	_ =	strace $0x90000046  }
0xb5: {  	s29 =	simm.s32 $0x9;
	_ =	strace $0x80000048  }
0xb6: {  	_ =	swait.ge [sflag:s29], $0x1  }
0xb7: {  	[sflag:s29] =	ssyncadd.s32 $0xFFFFFFFF  }
0xb8: {  	_ =	strace $0x90000048  }
0xb9: {  	_ =	sfence  }
0xba: {  	s30 =	sld [smem:$0x0];
	_ =	sdelay $0x2  }
0xbb: {  	s31 =	sshll.u32 s1, $0xD;
	s1 =	sshrl.u32 s1, $0x2  }
0xbc: {  	s3 =	sand.u32 $0x4000, s31;
	s1 =	sadd.s32 s1, s30  }
0xbd: {  	s0 =	sor.u32 s3, s0;
	s1 =	sshll.u32 s1, $0x11  }
0xbe: {  	s0 =	sor.u32 s1, s0  }
0xbf: {  	s0 =	sadd.s32 $0x8F2B, s0  }
0xc0: {  	[sflag:s0] =	ssyncadd.remote.s32 $0x1  }
0xc1: {  	_ =	sfence.sel $0xFFFF  }
0xc2: {  	[dreg:$0x0] =	wrdreg $0xFFFFFFFF;
	(pc) =	sbr.abs _section_cstart, $3  }
0xc3: {  	[dreg:$0x1] =	wrdreg $0xFFFFFFFF  }
0xc4: {  	_ =	task.clear_ibuf [dreg:s8], $0x2FFFF;
	_ =	strace $0x9FFFFFFF  }
0xc5: {  	(tm) =	ssettm $0x7FFFFFFF  }
tec
execute0_lowered:
.L_overlay_start_1:
0x0: {  	(tag) =	ssettag $0x1  }
0x1: {  	s1 =	rddreg [dreg:$0x0]  }
0x2: {  	s0 =	rddreg [dreg:$0x1]  }
0x3: {  	s4 =	rddreg [dreg:$0x2]  }
0x4: {  	s2 =	rddreg [dreg:$0x3];
	s5 =	srdreg.scid  }
0x5: {  	s12 =	stileid.u32;
	s3 =	simm.s32 $0x0;
	s15 =	simm.s32 $0x4980  }
0x6: {  	s16 =	simm.s32 $0x4A00;
	s17 =	simm.s32 $0x2;
	s18 =	simm.s32 $0x4A80  }
0x7: {  	s19 =	simm.s32 $0x4080;
	s31 =	simm.s32 $0x4580;
	s28 =	simm.s32 $0x4C00  }
0x8: {  	s29 =	simm.s32 $0x1;
	s7 =	sand.u32 $0x1, s5;
	s20 =	sshll.u32 s12, $0x1  }
0x9: {  	[smem:$0x7FF] =	sst s3;
	s9 =	sadd.s32 $0x11000, s4;
	s8 =	sshll.u32 s12, $0x5  }
0xa: {  	s11 =	sshllo.u32 s12, $0x1;
	s25 =	sshll.u32 s12, $0x9;
	p0 =	sne.s32 s12, $0x0  }
0xb: {  	s12 =	simm.s32 $0x3;
	s5 =	sor.u32 s7, s20;
	_ =	strace $0x80000047  }
0xc: {  	s21 =	ssub.s32 $0x2, s7;
	s23 =	sand.u32 $0x180, s8;
	s24 =	sshll.u32 s11, $0x4  }
0xd: {  	s26 =	sshll.u32 s7, $0x7;
	s11 =	sshll.u32 s11, $0x8;
	s7 =	sshll.u32 s7, $0x8  }
0xe: {  	s20 =	simm.s32 $0x4880;
	s6 =	sshll.u32 s5, $0xB;
	s22 =	sshrl.u32 s21, $0x1  }
0xf: {  	s5 =	sshll.u32 s5, $0x4;
	s14 =	sadd.s32 s0, s23;
	s11 =	sor.u32 s26, s11  }
0x10: {  	s7 =	sadd.s32 s0, s7;
	s23 =	simm.s32 $0x4780;
	s10 =	sadd.s32 s6, s4  }
0x11: {  	s13 =	ssub.s32 s21, s22;
	s6 =	sand.u32 $0x70, s24;
	s4 =	sadd.s32 s0, s5  }
0x12: {  	s5 =	sadd.s32 s0, s8;
	s8 =	sor.u32 s26, s25;
	s11 =	sshrl.u32 s11, $0x3  }
.Ltmp0:
0x13: {  	s0 =	simm.s32 $0x4600;
	s21 =	simm.s32 $0x4680;
	(pc) =	sbr.rel .LBB2_1-.Ltmp0, $4  }
0x14: {  	s22 =	simm.s32 $0x4700;
	s24 =	simm.s32 $0x4800;
	s25 =	simm.s32 $0x4B00  }
0x15: {  	s26 =	simm.s32 $0x4B80;
	s6 =	sadd.s32 s6, s14;
	s30 =	sshrl.u32 s8, $0x3  }
0x16: {  	s10 =	sadd.s32 $0x1000, s10;
	s14 =	simm.s32 $0x4900;
	s8 =	sadd.s32 s9, s30  }
0x17: {  	v0 =	vimm.s32 $0x1;
	s9 =	sadd.s32 s9, s11;
	s11 =	smax.u32 s13, $0x1;
	s13 =	simm.s32 $0x80  }
.LBB2_3:
0x18: {  	[bflag:$0x0] =	sbarrier.arrive $0xFFFF  }
0x19: {  	[tilespmem:s25], [sflag:$0x2] =	stream.indirect.gather [spmem:s2], $0x1, s14, s13, $0xb8;
	[tilespmem:$0x6500] =	vst v63  }
0x1a: {  	_ =	swait.ge [sflag:s17], $0x80  }
0x1b: {  	[sflag:s17] =	ssyncset.done $0x0  }
0x1c: {  	[sflag:s17] =	ssyncadd.s32 $0xFFFFFF80  }
0x1d: {  	v1 =	vld [tilespmem:$0x4B00]  }
0x1e: {  	v2 =	vld [tilespmem:$0x4A00]  }
0x1f: {  	v3 =	vld [tilespmem:$0x4B10]  }
0x20: {  	v4 =	vld [tilespmem:$0x4A10]  }
0x21: {  	v5 =	vld [tilespmem:$0x4B20]  }
0x22: {  	v6 =	vld [tilespmem:$0x4A20]  }
0x23: {  	v7 =	vld [tilespmem:$0x4B30]  }
0x24: {  	v8 =	vld [tilespmem:$0x4A30]  }
0x25: {  	v9 =	vld [tilespmem:$0x4B40]  }
0x26: {  	v10 =	vld [tilespmem:$0x4A40]  }
0x27: {  	v11 =	vld [tilespmem:$0x4B50]  }
0x28: {  	v12 =	vld [tilespmem:$0x4A50]  }
0x29: {  	v13 =	vld [tilespmem:$0x4B60]  }
0x2a: {  	v46 =	vld [tilespmem:$0x4B70];
	v1 =	vsub.s32 v1, v2  }
0x2b: {  	v2 =	vld [tilespmem:$0x4A60];
	v3 =	vsub.s32 v3, v4;
	v1 =	vcvt.s32.f32 v1  }
0x2c: {  	v47 =	vld [tilespmem:$0x4A70];
	v5 =	vsub.s32 v5, v6;
	v3 =	vcvt.s32.f32 v3  }
0x2d: {  	v48 =	vsub.s32 v7, v8;
	[tilespmem:$0x4B80] =	vst v1;
	v1 =	vcvt.s32.f32 v5  }
0x2e: {  	v49 =	vsub.s32 v9, v10;
	[tilespmem:$0x4B90] =	vst v3;
	v3 =	vcvt.s32.f32 v48  }
0x2f: {  	v50 =	vsub.s32 v11, v12;
	[tilespmem:$0x4BA0] =	vst v1;
	v1 =	vcvt.s32.f32 v49  }
0x30: {  	[tilespmem:$0x4BB0] =	vst v3;
	v3 =	vcvt.s32.f32 v50;
	v2 =	vsub.s32 v13, v2  }
0x31: {  	[tilespmem:$0x4BC0] =	vst v1;
	v1 =	vcvt.s32.f32 v2;
	v2 =	vsub.s32 v46, v47  }
0x32: {  	[tilespmem:$0x4BD0] =	vst v3;
	v2 =	vcvt.s32.f32 v2  }
0x33: {  	[tilespmem:$0x4BE0] =	vst v1  }
0x34: {  	[tilespmem:$0x4BF0] =	vst v2  }
0x35: {  	[tilespmem:s25], [sflag:$0x2] =	stream.indirect.gather [spmem:s2], $0x1, s15, s13, $0xb8;
	[tilespmem:$0x6500] =	vst v63  }
0x36: {  	_ =	swait.ge [sflag:s17], $0x80  }
0x37: {  	[sflag:s17] =	ssyncset.done $0x0  }
0x38: {  	[sflag:s17] =	ssyncadd.s32 $0xFFFFFF80  }
0x39: {  	v1 =	vld [tilespmem:$0x4B00]  }
0x3a: {  	v2 =	vld [tilespmem:$0x4A80]  }
0x3b: {  	v3 =	vld [tilespmem:$0x4B10]  }
0x3c: {  	v51 =	vld [tilespmem:$0x4A90]  }
0x3d: {  	v52 =	vld [tilespmem:$0x4B20]  }
0x3e: {  	v53 =	vld [tilespmem:$0x4AA0]  }
0x3f: {  	v54 =	vld [tilespmem:$0x4B30]  }
0x40: {  	v55 =	vld [tilespmem:$0x4AB0]  }
0x41: {  	v56 =	vld [tilespmem:$0x4B40]  }
0x42: {  	v57 =	vld [tilespmem:$0x4AC0]  }
0x43: {  	v58 =	vld [tilespmem:$0x4B50]  }
0x44: {  	v59 =	vld [tilespmem:$0x4AD0]  }
0x45: {  	v60 =	vld [tilespmem:$0x4B60]  }
0x46: {  	v61 =	vld [tilespmem:$0x4B70];
	v1 =	vsub.s32 v1, v2  }
0x47: {  	v2 =	vld [tilespmem:$0x4AE0];
	v3 =	vsub.s32 v3, v51;
	v1 =	vcvt.s32.f32 v1  }
0x48: {  	v62 =	vld [tilespmem:$0x4AF0];
	v5 =	vsub.s32 v52, v53;
	v3 =	vcvt.s32.f32 v3  }
0x49: {  	v5 =	vcvt.s32.f32 v5;
	[tilespmem:$0x4C00] =	vst v1;
	v1 =	vsub.s32 v54, v55  }
0x4a: {  	[tilespmem:$0x4C10] =	vst v3;
	v3 =	vsub.s32 v56, v57;
	v1 =	vcvt.s32.f32 v1  }
0x4b: {  	v63 =	vsub.s32 v58, v59;
	[tilespmem:$0x4C20] =	vst v5;
	v3 =	vcvt.s32.f32 v3  }
0x4c: {  	[tilespmem:$0x4C30] =	vst v1;
	v1 =	vsub.s32 v60, v2;
	v2 =	vcvt.s32.f32 v63  }
0x4d: {  	[tilespmem:$0x4C40] =	vst v3;
	v3 =	vsub.s32 v61, v62;
	v1 =	vcvt.s32.f32 v1  }
0x4e: {  	[tilespmem:$0x4C50] =	vst v2;
	v2 =	vcvt.s32.f32 v3  }
0x4f: {  	[tilespmem:$0x4C60] =	vst v1  }
0x50: {  	[tilespmem:$0x4C70] =	vst v2  }
0x51: {  	[hbm4b:s8+s3] =	stream.linear.scatter [tilespmem:s26], [sflag:$0x3], $0x80, $0x38;
	[tilespmem:$0x6500] =	vst v63  }
0x52: {  	_ =	swait.ge [sflag:s12], $0x80  }
0x53: {  	[sflag:s12] =	ssyncset.done $0x0  }
0x54: {  	[sflag:s12] =	ssyncadd.s32 $0xFFFFFF80  }
0x55: {  	[hbm4b:s9+s3] =	stream.linear.scatter [tilespmem:s28], [sflag:$0x3], $0x80, $0x38;
	[tilespmem:$0x6500] =	vst v63  }
0x56: {  	_ =	swait.ge [sflag:s12], $0x80  }
0x57: {  	[sflag:s12] =	ssyncset.done $0x0  }
0x58: {  	[sflag:s12] =	ssyncadd.s32 $0xFFFFFF80  }
0x59: {  	s11 =	sadd.s32 $0xFFFFFFFF, s11;
	_ =	swait.ge [sflag:s29], $0x4000  }
0x5a: {  	p1 =	sne.s32 s11, $0x0;
	[sflag:s29] =	ssyncset.done $0x0  }
.Ltmp1:
0x5b: {  	[sflag:s29] =	ssyncadd.s32 $0xFFFFC000;
	(pc) =	sbr.rel @!p1 .LBB2_4-.Ltmp1, $4  }
0x5c: {  	[hbm4b:s10+s3] =	stream.linear.scatter [tilespmem:s13], [sflag:$0x3], $0x4000, $0x38;
	[tilespmem:$0x6500] =	vst v63  }
0x5d: {  	_ =	swait.ge [sflag:s12], $0x4000  }
0x5e: {  	[sflag:s12] =	ssyncset.done $0x0  }
0x5f: {  	[sflag:s12] =	ssyncadd.s32 $0xFFFFC000  }
.LBB2_1:
0x60: {  	[tilespmem:s3], [sflag:$0x3] =	stream.linear.gather [hbm4b:s4+s3], $0x80, $0x38;
	[tilespmem:$0x6500] =	vst v63  }
0x61: {  	_ =	swait.ge [sflag:s12], $0x80  }
0x62: {  	[sflag:s12] =	ssyncset.done $0x0  }
0x63: {  	[sflag:s12] =	ssyncadd.s32 $0xFFFFFF80  }
0x64: {  	[tilespmem:s13], [sflag:$0x1] =	stream.indirect.gather [hbm4b:s1+s13], $0x80, s3, s13, $0xb8;
	[tilespmem:$0x6500] =	vst v63  }
0x65: {  	_ = 	snop  }
0x66: {  	[tilespmem:s14], [sflag:$0x3] =	stream.linear.gather [hbm4b:s5+s3], $0x80, $0x38;
	[tilespmem:$0x6500] =	vst v63  }
0x67: {  	_ =	swait.ge [sflag:s12], $0x80  }
0x68: {  	[sflag:s12] =	ssyncset.done $0x0  }
0x69: {  	[sflag:s12] =	ssyncadd.s32 $0xFFFFFF80  }
0x6a: {  	[tilespmem:s15], [sflag:$0x3] =	stream.linear.gather [hbm4b:s6+s3], $0x80, $0x38;
	[tilespmem:$0x6500] =	vst v63  }
0x6b: {  	_ =	swait.ge [sflag:s12], $0x80  }
0x6c: {  	[sflag:s12] =	ssyncset.done $0x0  }
0x6d: {  	[sflag:s12] =	ssyncadd.s32 $0xFFFFFF80  }
0x6e: {  	[tilespmem:s16], [sflag:$0x2] =	stream.indirect.gather [spmem:s2], $0x1, s14, s13, $0xb8;
	[tilespmem:$0x6500] =	vst v63  }
0x6f: {  	_ =	swait.ge [sflag:s17], $0x80  }
0x70: {  	[sflag:s17] =	ssyncset.done $0x0  }
0x71: {  	[sflag:s17] =	ssyncadd.s32 $0xFFFFFF80  }
0x72: {  	[tilespmem:s18], [sflag:$0x2] =	stream.indirect.gather [spmem:s2], $0x1, s15, s13, $0xb8;
	[tilespmem:$0x6500] =	vst v63  }
.Ltmp2:
0x73: {  	_ =	swait.ge [sflag:s17], $0x80;
	(pc) =	sbr.rel @p0 .LBB2_3-.Ltmp2, $3  }
0x74: {  	[sflag:s17] =	ssyncset.done $0x0  }
0x75: {  	[sflag:s17] =	ssyncadd.s32 $0xFFFFFF80  }
0x76: {  	[bflag:$0x0] =	sbarrier.arrive $0xFFFF;
	_ =	sdelay $0x1  }
0x77: {  	[tilespmem:s19], [sflag:$0x3] =	stream.linear.gather [hbm4b:s7+s3], $0x800, $0x38;
	[tilespmem:$0x6500] =	vst v63  }
0x78: {  	_ =	swait.ge [sflag:s12], $0x800  }
0x79: {  	[sflag:s12] =	ssyncset.done $0x0  }
0x7a: {  	[sflag:s12] =	ssyncadd.s32 $0xFFFFF800  }
0x7b: {  	[tilespmem:$0x4880] =	vst v0  }
0x7c: {  	[tilespmem:$0x4890] =	vst v0  }
0x7d: {  	[tilespmem:$0x48A0] =	vst v0  }
0x7e: {  	[tilespmem:$0x48B0] =	vst v0  }
0x7f: {  	[tilespmem:$0x48C0] =	vst v0  }
0x80: {  	[tilespmem:$0x48D0] =	vst v0  }
0x81: {  	[tilespmem:$0x48E0] =	vst v0  }
0x82: {  	[tilespmem:$0x48F0] =	vst v0  }
0x83: {  	[spmem:s2] =	stream.indirect.scatter.add.s32 [tilespmem:s20], [sflag:$0x3], $0x1, s19, s13, $0xb8;
	[tilespmem:$0x6500] =	vst v63  }
0x84: {  	_ =	swait.ge [sflag:s12], $0x80  }
0x85: {  	[sflag:s12] =	ssyncset.done $0x0  }
0x86: {  	s30 =	simm.s32 $0x4100;
	[sflag:s12] =	ssyncadd.s32 $0xFFFFFF80  }
0x87: {  	[spmem:s2] =	stream.indirect.scatter.add.s32 [tilespmem:s20], [sflag:$0x3], $0x1, s30, s13, $0xb8;
	[tilespmem:$0x6500] =	vst v63  }
0x88: {  	_ =	swait.ge [sflag:s12], $0x80  }
0x89: {  	[sflag:s12] =	ssyncset.done $0x0  }
0x8a: {  	s30 =	simm.s32 $0x4180;
	[sflag:s12] =	ssyncadd.s32 $0xFFFFFF80  }
0x8b: {  	[spmem:s2] =	stream.indirect.scatter.add.s32 [tilespmem:s20], [sflag:$0x3], $0x1, s30, s13, $0xb8;
	[tilespmem:$0x6500] =	vst v63  }
0x8c: {  	_ =	swait.ge [sflag:s12], $0x80  }
0x8d: {  	[sflag:s12] =	ssyncset.done $0x0  }
0x8e: {  	s30 =	simm.s32 $0x4200;
	[sflag:s12] =	ssyncadd.s32 $0xFFFFFF80  }
0x8f: {  	[spmem:s2] =	stream.indirect.scatter.add.s32 [tilespmem:s20], [sflag:$0x3], $0x1, s30, s13, $0xb8;
	[tilespmem:$0x6500] =	vst v63  }
0x90: {  	_ =	swait.ge [sflag:s12], $0x80  }
0x91: {  	[sflag:s12] =	ssyncset.done $0x0  }
0x92: {  	s30 =	simm.s32 $0x4280;
	[sflag:s12] =	ssyncadd.s32 $0xFFFFFF80  }
0x93: {  	[spmem:s2] =	stream.indirect.scatter.add.s32 [tilespmem:s20], [sflag:$0x3], $0x1, s30, s13, $0xb8;
	[tilespmem:$0x6500] =	vst v63  }
0x94: {  	_ =	swait.ge [sflag:s12], $0x80  }
0x95: {  	[sflag:s12] =	ssyncset.done $0x0  }
0x96: {  	s30 =	simm.s32 $0x4300;
	[sflag:s12] =	ssyncadd.s32 $0xFFFFFF80  }
0x97: {  	[spmem:s2] =	stream.indirect.scatter.add.s32 [tilespmem:s20], [sflag:$0x3], $0x1, s30, s13, $0xb8;
	[tilespmem:$0x6500] =	vst v63  }
0x98: {  	_ =	swait.ge [sflag:s12], $0x80  }
0x99: {  	[sflag:s12] =	ssyncset.done $0x0  }
0x9a: {  	s30 =	simm.s32 $0x4380;
	[sflag:s12] =	ssyncadd.s32 $0xFFFFFF80  }
0x9b: {  	[spmem:s2] =	stream.indirect.scatter.add.s32 [tilespmem:s20], [sflag:$0x3], $0x1, s30, s13, $0xb8;
	[tilespmem:$0x6500] =	vst v63  }
0x9c: {  	_ =	swait.ge [sflag:s12], $0x80  }
0x9d: {  	[sflag:s12] =	ssyncset.done $0x0  }
0x9e: {  	s30 =	simm.s32 $0x4400;
	[sflag:s12] =	ssyncadd.s32 $0xFFFFFF80  }
0x9f: {  	[spmem:s2] =	stream.indirect.scatter.add.s32 [tilespmem:s20], [sflag:$0x3], $0x1, s30, s13, $0xb8;
	[tilespmem:$0x6500] =	vst v63  }
0xa0: {  	_ =	swait.ge [sflag:s12], $0x80  }
0xa1: {  	[sflag:s12] =	ssyncset.done $0x0  }
0xa2: {  	s30 =	simm.s32 $0x4480;
	[sflag:s12] =	ssyncadd.s32 $0xFFFFFF80  }
0xa3: {  	[spmem:s2] =	stream.indirect.scatter.add.s32 [tilespmem:s20], [sflag:$0x3], $0x1, s30, s13, $0xb8;
	[tilespmem:$0x6500] =	vst v63  }
0xa4: {  	_ =	swait.ge [sflag:s12], $0x80  }
0xa5: {  	[sflag:s12] =	ssyncset.done $0x0  }
0xa6: {  	s30 =	simm.s32 $0x4500;
	[sflag:s12] =	ssyncadd.s32 $0xFFFFFF80  }
0xa7: {  	[spmem:s2] =	stream.indirect.scatter.add.s32 [tilespmem:s20], [sflag:$0x3], $0x1, s30, s13, $0xb8;
	[tilespmem:$0x6500] =	vst v63  }
0xa8: {  	_ =	swait.ge [sflag:s12], $0x80  }
0xa9: {  	[sflag:s12] =	ssyncset.done $0x0  }
0xaa: {  	[sflag:s12] =	ssyncadd.s32 $0xFFFFFF80  }
0xab: {  	[spmem:s2] =	stream.indirect.scatter.add.s32 [tilespmem:s20], [sflag:$0x3], $0x1, s31, s13, $0xb8;
	[tilespmem:$0x6500] =	vst v63  }
0xac: {  	_ =	swait.ge [sflag:s12], $0x80  }
0xad: {  	[sflag:s12] =	ssyncset.done $0x0  }
0xae: {  	[sflag:s12] =	ssyncadd.s32 $0xFFFFFF80  }
0xaf: {  	[spmem:s2] =	stream.indirect.scatter.add.s32 [tilespmem:s20], [sflag:$0x3], $0x1, s0, s13, $0xb8;
	[tilespmem:$0x6500] =	vst v63  }
0xb0: {  	_ =	swait.ge [sflag:s12], $0x80  }
0xb1: {  	[sflag:s12] =	ssyncset.done $0x0  }
0xb2: {  	[sflag:s12] =	ssyncadd.s32 $0xFFFFFF80  }
0xb3: {  	[spmem:s2] =	stream.indirect.scatter.add.s32 [tilespmem:s20], [sflag:$0x3], $0x1, s21, s13, $0xb8;
	[tilespmem:$0x6500] =	vst v63  }
0xb4: {  	_ =	swait.ge [sflag:s12], $0x80  }
0xb5: {  	[sflag:s12] =	ssyncset.done $0x0  }
0xb6: {  	[sflag:s12] =	ssyncadd.s32 $0xFFFFFF80  }
0xb7: {  	[spmem:s2] =	stream.indirect.scatter.add.s32 [tilespmem:s20], [sflag:$0x3], $0x1, s22, s13, $0xb8;
	[tilespmem:$0x6500] =	vst v63  }
0xb8: {  	_ =	swait.ge [sflag:s12], $0x80  }
0xb9: {  	[sflag:s12] =	ssyncset.done $0x0  }
0xba: {  	[sflag:s12] =	ssyncadd.s32 $0xFFFFFF80  }
0xbb: {  	[spmem:s2] =	stream.indirect.scatter.add.s32 [tilespmem:s20], [sflag:$0x3], $0x1, s23, s13, $0xb8;
	[tilespmem:$0x6500] =	vst v63  }
0xbc: {  	_ =	swait.ge [sflag:s12], $0x80  }
0xbd: {  	[sflag:s12] =	ssyncset.done $0x0  }
.Ltmp3:
0xbe: {  	[sflag:s12] =	ssyncadd.s32 $0xFFFFFF80;
	(pc) =	sbr.rel .LBB2_3-.Ltmp3, $4  }
0xbf: {  	[spmem:s2] =	stream.indirect.scatter.add.s32 [tilespmem:s20], [sflag:$0x3], $0x1, s24, s13, $0xb8;
	[tilespmem:$0x6500] =	vst v63  }
0xc0: {  	_ =	swait.ge [sflag:s12], $0x80  }
0xc1: {  	[sflag:s12] =	ssyncset.done $0x0  }
0xc2: {  	[sflag:s12] =	ssyncadd.s32 $0xFFFFFF80  }
.LBB2_4:
0xc3: {  	_ =	sfence.sel $0x180000  }
0xc4: {  	[bflag:$0x0] =	sbarrier.arrive $0xFFFF  }
0xc5: {  	_ =	strace $0x90000047  }
0xc6: {  	[bflag:$0x2] =	sbarrier.arrive $0xFFFF  }
0xc7: {  	s0 =	rddreg [dreg:$0x4]  }
0xc8: {  	s0 =	sadd.s32 @!p0 $0x100000, s0  }
0xc9: {  	[sflag:s0] =	ssyncadd.tile.s32 @!p0 $0x1;
	_ =	shalt  }
.Lfunc_end2:
_tile_overlayer_lowered:
.L_overlay_start_2:
0xca: {  	(tag) =	ssettag $0x2  }
0xcb: {  	s0 =	rddreg [dreg:$0x0];
	s2 =	stileid.u32  }
0xcc: {  	s1 =	rddreg [dreg:$0x1];
	p0 =	sne.s32 s2, $0x0  }
0xcd: {  	s3 =	rddreg [dreg:$0x2];
	[bflag:$0x3] =	sbarrier.arrive $0xFFFF;
	s2 =	simm.s32 @!p0 $0x1C03  }
0xce: {  	[timem:s3], [sflag:s2] =	dma.local @!p0 [hbm:s0], s1  }
0xcf: {  	s0 =	simm.s32 @!p0 $0x3  }
0xd0: {  	_ =	swait.ge @!p0 [sflag:s0], s1  }
0xd1: {  	s1 =	ssub.s32 @!p0 $0x0, s1;
	[sflag:s0] =	ssyncset.done @!p0 $0x0  }
0xd2: {  	[sflag:s0] =	ssyncadd.s32 @!p0 s1  }
0xd3: {  	[bflag:$0x3] =	sbarrier.arrive $0xFFFF  }
0xd4: {  	_ =	shalt  }

</sc_bundles>
